<compile_context>
chip_gen: v7x
topology: tpu7x:2x2x1
jax: 0.10.2.dev20260603
libtpu: 0.0.44.dev20260713+nightly
codegen_flags: <defaults>
</compile_context>

<pallas_src>
import functools

import jax
import jax.numpy as jnp
from jax import lax
from jax.experimental import pallas as pl
from jax.experimental.pallas import tpu as pltpu
from jax.experimental.pallas import tpu_sc as plsc

N, E, D, G = 10000, 320000, 128, 128
NC, NS = 2, 16
NW = NC * NS
CHUNK = 128
CPW = 80
GS = 40
NG = CPW // GS
EPAD = NW * CPW * CHUNK
NCHUNK = E // CHUNK
NPAD = 10240
RPS = NPAD // NS

BLK = 1024
NBLK = NPAD // BLK


def _agg_body(h_hbm, src_hbm, dst_hbm, out_hbm,
              acc, src_v, dst_v, rows_v, sem0, sem1, isem):
    c = lax.axis_index("c")
    s = lax.axis_index("s")
    w = c * NS + s
    sems = (sem0, sem1)
    n_w = jnp.int32(NCHUNK // NW) + (w < NCHUNK % NW).astype(jnp.int32)

    init_cp = pltpu.async_copy(h_hbm.at[pl.ds(s * RPS, RPS)],
                               acc.at[pl.ds(s * RPS, RPS)], isem)
    pltpu.sync_copy(src_hbm.at[w, pl.ds(0, GS)], src_v)
    pltpu.sync_copy(dst_hbm.at[w, pl.ds(0, GS)], dst_v)
    init_cp.wait()
    plsc.subcore_barrier()

    @pl.loop(0, NG)
    def _grp(g):
        lim = jnp.minimum(n_w - g * GS, GS)

        @pl.when(g > 0)
        def _():
            pltpu.sync_copy(src_hbm.at[w, pl.ds(g * GS, GS)], src_v)
            pltpu.sync_copy(dst_hbm.at[w, pl.ds(g * GS, GS)], dst_v)

        @pl.when(lim > 0)
        def _():
            pltpu.async_copy(h_hbm.at[src_v.at[0]], rows_v.at[0], sem0)

        @pl.loop(0, GS, step=2)
        def _edges(j):
            for b in range(2):
                jj = j + b

                @pl.when(jj + 1 < lim)
                def _():
                    pltpu.async_copy(h_hbm.at[src_v.at[jj + 1]],
                                     rows_v.at[(b + 1) % 2], sems[(b + 1) % 2])

                @pl.when(jj < lim)
                def _():
                    pltpu.make_async_copy(h_hbm.at[src_v.at[jj]],
                                          rows_v.at[b], sems[b]).wait()
                    pltpu.sync_copy(rows_v.at[b], acc.at[dst_v.at[jj]],
                                    add=True)

    plsc.subcore_barrier()
    pltpu.sync_copy(acc.at[pl.ds(s * RPS, RPS)],
                    out_hbm.at[c, pl.ds(s * RPS, RPS)])


def _aggregate(h, src_p, dst_p):
    kern = pl.kernel(
        _agg_body,
        out_type=jax.ShapeDtypeStruct((NC, NPAD, D), jnp.float32),
        mesh=plsc.VectorSubcoreMesh(core_axis_name="c", subcore_axis_name="s"),
        scratch_types=[
            pltpu.VMEM_SHARED((NPAD, D), jnp.float32),
            pltpu.VMEM((GS, CHUNK), jnp.int32),
            pltpu.VMEM((GS, CHUNK), jnp.int32),
            pltpu.VMEM((2, CHUNK, D), jnp.float32),
            pltpu.SemaphoreType.DMA,
            pltpu.SemaphoreType.DMA,
            pltpu.SemaphoreType.DMA,
        ],
    )
    return kern(h, src_p, dst_p)


def _mlp_body(relu_out, p0_ref, p1_ref, h_ref, w1_ref, b1_ref, w2_ref, b2_ref,
              o_ref):
    m = p0_ref[...] + p1_ref[...] - h_ref[...]
    z = jnp.dot(m, w1_ref[...], preferred_element_type=jnp.float32)
    z = jnp.maximum(z + b1_ref[...], 0.0)
    z = jnp.dot(z, w2_ref[...], preferred_element_type=jnp.float32)
    z = z + b2_ref[...]
    if relu_out:
        z = jnp.maximum(z, 0.0)
    o_ref[...] = z


def _mlp(p0, p1, h, w1, b1, w2, b2, relu_out):
    row = pl.BlockSpec((BLK, D), lambda i: (i, 0))
    full = pl.BlockSpec((D, D), lambda i: (0, 0))
    vec = pl.BlockSpec((1, D), lambda i: (0, 0))
    return pl.pallas_call(
        functools.partial(_mlp_body, relu_out),
        grid=(NBLK,),
        in_specs=[row, row, row, full, vec, full, vec],
        out_specs=row,
        out_shape=jax.ShapeDtypeStruct((NPAD, D), jnp.float32),
    )(p0, p1, h, w1, b1.reshape(1, D), w2, b2.reshape(1, D))


def _final_body(p0_ref, p1_ref, h_ref, w1_ref, b1_ref, w2_ref, b2_ref,
                batch_ref, wfc_ref, bfc_ref, o_ref, pooled):
    i = pl.program_id(0)
    m = p0_ref[...] + p1_ref[...] - h_ref[...]
    z = jnp.dot(m, w1_ref[...], preferred_element_type=jnp.float32)
    z = jnp.maximum(z + b1_ref[...], 0.0)
    z = jnp.dot(z, w2_ref[...], preferred_element_type=jnp.float32)
    z = z + b2_ref[...]
    oh = (batch_ref[...] ==
          lax.broadcasted_iota(jnp.int32, (BLK, G), 1)).astype(jnp.float32)
    part = lax.dot_general(oh, z, (((0,), (0,)), ((), ())),
                           preferred_element_type=jnp.float32, precision=lax.Precision.HIGHEST)

    @pl.when(i == 0)
    def _():
        pooled[...] = jnp.zeros_like(pooled)

    pooled[...] += part

    @pl.when(i == pl.num_programs(0) - 1)
    def _():
        o_ref[...] = (jnp.dot(pooled[...], wfc_ref[...],
                              preferred_element_type=jnp.float32)
                      + bfc_ref[...])


def _final(p0, p1, h, w1, b1, w2, b2, batch2d, wfc, bfc):
    row = pl.BlockSpec((BLK, D), lambda i: (i, 0))
    full = pl.BlockSpec((D, D), lambda i: (0, 0))
    vec = pl.BlockSpec((1, D), lambda i: (0, 0))
    return pl.pallas_call(
        _final_body,
        grid=(NBLK,),
        in_specs=[row, row, row, full, vec, full, vec,
                  pl.BlockSpec((BLK, 1), lambda i: (i, 0)),
                  pl.BlockSpec((D, 1), lambda i: (0, 0)),
                  pl.BlockSpec((1, 1), lambda i: (0, 0))],
        out_specs=pl.BlockSpec((G, 1), lambda i: (0, 0)),
        out_shape=jax.ShapeDtypeStruct((G, 1), jnp.float32),
        scratch_shapes=[pltpu.VMEM((G, D), jnp.float32)],
    )(p0, p1, h, w1, b1.reshape(1, D), w2, b2.reshape(1, D),
      batch2d, wfc, bfc.reshape(1, 1))


def kernel(x, edge_index, batch, W1_0, b1_0, W2_0, b2_0, W1_1, b1_1, W2_1,
           b2_1, W1_2, b1_2, W2_2, b2_2, Wfc, bfc):
    src = edge_index[0]
    dst = edge_index[1]
    pad = EPAD - E
    src_p = jnp.concatenate(
        [src, jnp.zeros((pad,), jnp.int32)]
    ).reshape(CPW, NW, CHUNK).transpose(1, 0, 2)
    dst_p = jnp.concatenate(
        [dst, jnp.full((pad,), N, jnp.int32)]
    ).reshape(CPW, NW, CHUNK).transpose(1, 0, 2)
    batch2d = jnp.concatenate(
        [batch, jnp.full((NPAD - N,), G, jnp.int32)]).reshape(NPAD, 1)

    h = jnp.pad(x.astype(jnp.float32), ((0, NPAD - N), (0, 0)))
    params = [(W1_0, b1_0, W2_0, b2_0), (W1_1, b1_1, W2_1, b2_1),
              (W1_2, b1_2, W2_2, b2_2)]
    for i in range(2):
        w1, b1, w2, b2 = params[i]
        p = _aggregate(h, src_p, dst_p)
        h = _mlp(p[0], p[1], h, w1, b1, w2, b2, relu_out=True)
    w1, b1, w2, b2 = params[2]
    p = _aggregate(h, src_p, dst_p)
    return _final(p[0], p[1], h, w1, b1, w2, b2, batch2d, Wfc, bfc)

# --- scband reference (transcript-rebuilt; emitter-appended) ---
"""Pipeline reference for scband-ginmodel-66022237274356 (READ-ONLY COPY).

The authoritative reference and input builder live on the scoring server;
editing this copy changes nothing except your own understanding.
"""

import jax, jax.numpy as jnp
import numpy as np

N, E, D, G = 10000, 320000, 128, 128


def setup_inputs(seed: int = 0):
    key = jax.random.key(seed)
    ks = jax.random.split(key, 20)
    inp = {}
    inp['x'] = jax.random.normal(ks[0], (N, D), dtype=jnp.float32)
    inp['edge_index'] = jax.random.randint(ks[1], (2, E), 0, N, dtype=jnp.int32)
    inp['batch'] = jnp.sort(jax.random.randint(ks[2], (N,), 0, G, dtype=jnp.int32))
    s = 1.0 / np.sqrt(D)
    k = 3
    for i in range(3):
        inp[f'W1_{i}'] = jax.random.normal(ks[k], (D, D), dtype=jnp.float32) * s; k += 1
        inp[f'b1_{i}'] = jnp.zeros((D,), dtype=jnp.float32)
        inp[f'W2_{i}'] = jax.random.normal(ks[k], (D, D), dtype=jnp.float32) * s; k += 1
        inp[f'b2_{i}'] = jnp.zeros((D,), dtype=jnp.float32)
    inp['Wfc'] = jax.random.normal(ks[k], (D, 1), dtype=jnp.float32) * s
    inp['bfc'] = jnp.zeros((1,), dtype=jnp.float32)
    return inp


def reference(x, edge_index, batch, W1_0, b1_0, W2_0, b2_0, W1_1, b1_1, W2_1, b2_1, W1_2, b1_2, W2_2, b2_2, Wfc, bfc):
    # GINModel: 3 GINConv layers (eps=0, MLP Linear->ReLU->Linear), ReLU between
    # layers (dropout is identity in eval), then global_add_pool over batch, then fc.
    src = edge_index[0]
    dst = edge_index[1]
    params = [(W1_0, b1_0, W2_0, b2_0), (W1_1, b1_1, W2_1, b2_1), (W1_2, b1_2, W2_2, b2_2)]
    h = x.astype(jnp.float32)
    for i, (W1, b1, W2, b2) in enumerate(params):
        agg = jax.ops.segment_sum(h[src], dst, num_segments=h.shape[0])
        m = (1.0 + 0.0) * h + agg
        m = jnp.maximum(m @ W1 + b1, 0.0)
        m = m @ W2 + b2
        if i < len(params) - 1:
            m = jnp.maximum(m, 0.0)
        h = m
    pooled = jax.ops.segment_sum(h, batch, num_segments=G)
    out = pooled @ Wfc + bfc
    return out

if __name__ == "__main__":
    import jax
    _d = setup_inputs()
    print(jax.jit(kernel)(*tuple(_d.values())))

</pallas_src>

<mosaic_0001>
#map = affine_map<(d0, d1) -> (0, 0)>
#map1 = affine_map<(d0, d1) -> (0, 0, 0)>
module attributes {stable_mosaic.version = 14 : i64} {
  func.func @_agg_body(%arg0: i32, %arg1: i32, %arg2: memref<10240x128xf32, #tpu.memory_space<hbm>>, %arg3: memref<32x80x128xi32, #tpu.memory_space<hbm>>, %arg4: memref<32x80x128xi32, #tpu.memory_space<hbm>>, %arg5: memref<2x10240x128xf32, #tpu.memory_space<hbm>>, %arg6: memref<10240x128xf32, #tpu.memory_space<vmem_shared>>, %arg7: memref<40x128xi32, #tpu.memory_space<vmem>>, %arg8: memref<40x128xi32, #tpu.memory_space<vmem>>, %arg9: memref<2x128x128xf32, #tpu.memory_space<vmem>>, %arg10: memref<!tpu.dma_semaphore, #tpu.memory_space<semaphore_mem>>, %arg11: memref<!tpu.dma_semaphore, #tpu.memory_space<semaphore_mem>>, %arg12: memref<!tpu.dma_semaphore, #tpu.memory_space<semaphore_mem>>) attributes {dimension_semantics = [#tpu.dimension_semantics<core_parallel>, #tpu.dimension_semantics<subcore_parallel>], iteration_bounds = array<i64: 2, 16>, scalar_prefetch = 0 : i64, scratch_operands = 7 : i64, tpu.core_type = #tpu.core_type<sc_vector_subcore>, window_params = [{transform_indices = #map}, {transform_indices = #map1}, {transform_indices = #map1}, {transform_indices = #map1}]} {
    %mul3A = arith.constant 16 : i32
    %mul3A_0 = arith.muli %arg0, %mul3A : i32
    %add3A = arith.addi %mul3A_0, %arg1 : i32
    %lt3A = arith.constant 4 : i32
    %lt3A_1 = arith.cmpi slt, %add3A, %lt3A : i32
    %convert_element_type3A = arith.extui %lt3A_1 : i1 to i32
    %add3A_2 = arith.constant 78 : i32
    %add3A_3 = arith.addi %add3A_2, %convert_element_type3A : i32
    %mul3A_4 = arith.constant 640 : i32
    %mul3A_5 = arith.muli %arg1, %mul3A_4 : i32
    %mul3A_6 = arith.constant 640 : i32
    %mul3A_7 = arith.muli %arg1, %mul3A_6 : i32
    %dma_start3A = arith.constant 0 : i32
    %dma_start3A_8 = tpu.memref_slice %arg6[%mul3A_7, %dma_start3A] : memref<10240x128xf32, #tpu.memory_space<vmem_shared>> -> memref<640x128xf32, #tpu.memory_space<vmem_shared>>
    %dma_start3A_9 = arith.constant 0 : i32
    %dma_start3A_10 = tpu.memref_slice %arg2[%mul3A_5, %dma_start3A_9] : memref<10240x128xf32, #tpu.memory_space<hbm>> -> memref<640x128xf32, #tpu.memory_space<hbm>>
    tpu.enqueue_dma source(%dma_start3A_10 : memref<640x128xf32, #tpu.memory_space<hbm>>) target(%dma_start3A_8 : memref<640x128xf32, #tpu.memory_space<vmem_shared>>) target_semaphore(%arg12 : memref<!tpu.dma_semaphore, #tpu.memory_space<semaphore_mem>>)
    "tpu.region"() ({
      %run_scoped3A = tpu.sem_alloc : memref<!tpu.dma_semaphore, #tpu.memory_space<semaphore_mem>>
      %dma_start3A_23 = arith.constant 0 : i32
      %dma_start3A_24 = arith.constant 0 : i32
      %dma_start3A_25 = tpu.memref_slice %arg3[%add3A, %dma_start3A_23, %dma_start3A_24] : memref<32x80x128xi32, #tpu.memory_space<hbm>> -> memref<1x40x128xi32, #tpu.memory_space<hbm>>
      %dma_start3A_26 = tpu.memref_squeeze %dma_start3A_25 : memref<1x40x128xi32, #tpu.memory_space<hbm>> -> memref<40x128xi32, #tpu.memory_space<hbm>>
      %dma_start3A_27 = arith.constant 0 : i32
      %dma_start3A_28 = arith.constant 0 : i32
      %dma_start3A_29 = tpu.memref_slice %arg3[%add3A, %dma_start3A_27, %dma_start3A_28] : memref<32x80x128xi32, #tpu.memory_space<hbm>> -> memref<1x40x128xi32, #tpu.memory_space<hbm>>
      %dma_start3A_30 = tpu.memref_squeeze %dma_start3A_29 : memref<1x40x128xi32, #tpu.memory_space<hbm>> -> memref<40x128xi32, #tpu.memory_space<hbm>>
      tpu.enqueue_dma source(%dma_start3A_30 : memref<40x128xi32, #tpu.memory_space<hbm>>) target(%arg7 : memref<40x128xi32, #tpu.memory_space<vmem>>) target_semaphore(%run_scoped3A : memref<!tpu.dma_semaphore, #tpu.memory_space<semaphore_mem>>)
      %dma_wait3A_31 = arith.constant 0 : i32
      %dma_wait3A_32 = arith.constant 0 : i32
      %dma_wait3A_33 = tpu.memref_slice %arg3[%add3A, %dma_wait3A_31, %dma_wait3A_32] : memref<32x80x128xi32, #tpu.memory_space<hbm>> -> memref<1x40x128xi32, #tpu.memory_space<hbm>>
      %dma_wait3A_34 = tpu.memref_squeeze %dma_wait3A_33 : memref<1x40x128xi32, #tpu.memory_space<hbm>> -> memref<40x128xi32, #tpu.memory_space<hbm>>
      %dma_wait3A_35 = arith.constant 0 : i32
      %dma_wait3A_36 = arith.constant 0 : i32
      %dma_wait3A_37 = tpu.memref_slice %arg3[%add3A, %dma_wait3A_35, %dma_wait3A_36] : memref<32x80x128xi32, #tpu.memory_space<hbm>> -> memref<1x40x128xi32, #tpu.memory_space<hbm>>
      %dma_wait3A_38 = tpu.memref_squeeze %dma_wait3A_37 : memref<1x40x128xi32, #tpu.memory_space<hbm>> -> memref<40x128xi32, #tpu.memory_space<hbm>>
      tpu.wait_dma2 semaphore(%run_scoped3A : memref<!tpu.dma_semaphore, #tpu.memory_space<semaphore_mem>>) src(%dma_wait3A_38 : memref<40x128xi32, #tpu.memory_space<hbm>>) dst(%arg7 : memref<40x128xi32, #tpu.memory_space<vmem>>)
      tpu.yield
    }) : () -> ()
    "tpu.region"() ({
      %run_scoped3A = tpu.sem_alloc : memref<!tpu.dma_semaphore, #tpu.memory_space<semaphore_mem>>
      %dma_start3A_23 = arith.constant 0 : i32
      %dma_start3A_24 = arith.constant 0 : i32
      %dma_start3A_25 = tpu.memref_slice %arg4[%add3A, %dma_start3A_23, %dma_start3A_24] : memref<32x80x128xi32, #tpu.memory_space<hbm>> -> memref<1x40x128xi32, #tpu.memory_space<hbm>>
      %dma_start3A_26 = tpu.memref_squeeze %dma_start3A_25 : memref<1x40x128xi32, #tpu.memory_space<hbm>> -> memref<40x128xi32, #tpu.memory_space<hbm>>
      %dma_start3A_27 = arith.constant 0 : i32
      %dma_start3A_28 = arith.constant 0 : i32
      %dma_start3A_29 = tpu.memref_slice %arg4[%add3A, %dma_start3A_27, %dma_start3A_28] : memref<32x80x128xi32, #tpu.memory_space<hbm>> -> memref<1x40x128xi32, #tpu.memory_space<hbm>>
      %dma_start3A_30 = tpu.memref_squeeze %dma_start3A_29 : memref<1x40x128xi32, #tpu.memory_space<hbm>> -> memref<40x128xi32, #tpu.memory_space<hbm>>
      tpu.enqueue_dma source(%dma_start3A_30 : memref<40x128xi32, #tpu.memory_space<hbm>>) target(%arg8 : memref<40x128xi32, #tpu.memory_space<vmem>>) target_semaphore(%run_scoped3A : memref<!tpu.dma_semaphore, #tpu.memory_space<semaphore_mem>>)
      %dma_wait3A_31 = arith.constant 0 : i32
      %dma_wait3A_32 = arith.constant 0 : i32
      %dma_wait3A_33 = tpu.memref_slice %arg4[%add3A, %dma_wait3A_31, %dma_wait3A_32] : memref<32x80x128xi32, #tpu.memory_space<hbm>> -> memref<1x40x128xi32, #tpu.memory_space<hbm>>
      %dma_wait3A_34 = tpu.memref_squeeze %dma_wait3A_33 : memref<1x40x128xi32, #tpu.memory_space<hbm>> -> memref<40x128xi32, #tpu.memory_space<hbm>>
      %dma_wait3A_35 = arith.constant 0 : i32
      %dma_wait3A_36 = arith.constant 0 : i32
      %dma_wait3A_37 = tpu.memref_slice %arg4[%add3A, %dma_wait3A_35, %dma_wait3A_36] : memref<32x80x128xi32, #tpu.memory_space<hbm>> -> memref<1x40x128xi32, #tpu.memory_space<hbm>>
      %dma_wait3A_38 = tpu.memref_squeeze %dma_wait3A_37 : memref<1x40x128xi32, #tpu.memory_space<hbm>> -> memref<40x128xi32, #tpu.memory_space<hbm>>
      tpu.wait_dma2 semaphore(%run_scoped3A : memref<!tpu.dma_semaphore, #tpu.memory_space<semaphore_mem>>) src(%dma_wait3A_38 : memref<40x128xi32, #tpu.memory_space<hbm>>) dst(%arg8 : memref<40x128xi32, #tpu.memory_space<vmem>>)
      tpu.yield
    }) : () -> ()
    %dma_wait3A = arith.constant 0 : i32
    %dma_wait3A_11 = tpu.memref_slice %arg6[%mul3A_7, %dma_wait3A] : memref<10240x128xf32, #tpu.memory_space<vmem_shared>> -> memref<640x128xf32, #tpu.memory_space<vmem_shared>>
    %dma_wait3A_12 = arith.constant 0 : i32
    %dma_wait3A_13 = tpu.memref_slice %arg2[%mul3A_5, %dma_wait3A_12] : memref<10240x128xf32, #tpu.memory_space<hbm>> -> memref<640x128xf32, #tpu.memory_space<hbm>>
    tpu.wait_dma2 semaphore(%arg12 : memref<!tpu.dma_semaphore, #tpu.memory_space<semaphore_mem>>) src(%dma_wait3A_13 : memref<640x128xf32, #tpu.memory_space<hbm>>) dst(%dma_wait3A_11 : memref<640x128xf32, #tpu.memory_space<vmem_shared>>)
    %barrier3A = arith.constant 0 : index
    tpu.barrier barrier_id(%barrier3A)
    %scan3A = arith.constant 0 : i32
    %scan3A_14 = arith.constant 2 : i32
    %scan3A_15 = arith.addi %scan3A, %scan3A_14 : i32
    %scan3A_16 = arith.constant 1 : i32
    scf.for %scan3A_23 = %scan3A to %scan3A_15 step %scan3A_16  : i32 {
      %mul3A_24 = arith.constant 1 : i32
      %mul3A_25 = arith.muli %scan3A_23, %mul3A_24 : i32
      %add3A_26 = arith.constant 0 : i32
      %add3A_27 = arith.addi %add3A_26, %mul3A_25 : i32
      %mul3A_28 = arith.constant 40 : i32
      %mul3A_29 = arith.muli %add3A_27, %mul3A_28 : i32
      %sub3A = arith.subi %add3A_3, %mul3A_29 : i32
      %min3A = arith.constant 40 : i32
      %min3A_30 = arith.minsi %sub3A, %min3A : i32
      %gt3A = arith.constant 0 : i32
      %gt3A_31 = arith.cmpi sgt, %add3A_27, %gt3A : i32
      %convert_element_type3A_32 = arith.extui %gt3A_31 : i1 to i32
      %cond3A = arith.constant 0 : i32
      %cond3A_33 = arith.cmpi ne, %convert_element_type3A_32, %cond3A : i32
      scf.if %cond3A_33 {
        %mul3A_44 = arith.constant 40 : i32
        %mul3A_45 = arith.muli %add3A_27, %mul3A_44 : i32
        "tpu.region"() ({
          %run_scoped3A = tpu.sem_alloc : memref<!tpu.dma_semaphore, #tpu.memory_space<semaphore_mem>>
          %dma_start3A_48 = arith.constant 0 : i32
          %dma_start3A_49 = tpu.memref_slice %arg3[%add3A, %mul3A_45, %dma_start3A_48] : memref<32x80x128xi32, #tpu.memory_space<hbm>> -> memref<1x40x128xi32, #tpu.memory_space<hbm>>
          %dma_start3A_50 = tpu.memref_squeeze %dma_start3A_49 : memref<1x40x128xi32, #tpu.memory_space<hbm>> -> memref<40x128xi32, #tpu.memory_space<hbm>>
          %dma_start3A_51 = arith.constant 0 : i32
          %dma_start3A_52 = tpu.memref_slice %arg3[%add3A, %mul3A_45, %dma_start3A_51] : memref<32x80x128xi32, #tpu.memory_space<hbm>> -> memref<1x40x128xi32, #tpu.memory_space<hbm>>
          %dma_start3A_53 = tpu.memref_squeeze %dma_start3A_52 : memref<1x40x128xi32, #tpu.memory_space<hbm>> -> memref<40x128xi32, #tpu.memory_space<hbm>>
          tpu.enqueue_dma source(%dma_start3A_53 : memref<40x128xi32, #tpu.memory_space<hbm>>) target(%arg7 : memref<40x128xi32, #tpu.memory_space<vmem>>) target_semaphore(%run_scoped3A : memref<!tpu.dma_semaphore, #tpu.memory_space<semaphore_mem>>)
          %dma_wait3A_54 = arith.constant 0 : i32
          %dma_wait3A_55 = tpu.memref_slice %arg3[%add3A, %mul3A_45, %dma_wait3A_54] : memref<32x80x128xi32, #tpu.memory_space<hbm>> -> memref<1x40x128xi32, #tpu.memory_space<hbm>>
          %dma_wait3A_56 = tpu.memref_squeeze %dma_wait3A_55 : memref<1x40x128xi32, #tpu.memory_space<hbm>> -> memref<40x128xi32, #tpu.memory_space<hbm>>
          %dma_wait3A_57 = arith.constant 0 : i32
          %dma_wait3A_58 = tpu.memref_slice %arg3[%add3A, %mul3A_45, %dma_wait3A_57] : memref<32x80x128xi32, #tpu.memory_space<hbm>> -> memref<1x40x128xi32, #tpu.memory_space<hbm>>
          %dma_wait3A_59 = tpu.memref_squeeze %dma_wait3A_58 : memref<1x40x128xi32, #tpu.memory_space<hbm>> -> memref<40x128xi32, #tpu.memory_space<hbm>>
          tpu.wait_dma2 semaphore(%run_scoped3A : memref<!tpu.dma_semaphore, #tpu.memory_space<semaphore_mem>>) src(%dma_wait3A_59 : memref<40x128xi32, #tpu.memory_space<hbm>>) dst(%arg7 : memref<40x128xi32, #tpu.memory_space<vmem>>)
          tpu.yield
        }) : () -> ()
        %mul3A_46 = arith.constant 40 : i32
        %mul3A_47 = arith.muli %add3A_27, %mul3A_46 : i32
        "tpu.region"() ({
          %run_scoped3A = tpu.sem_alloc : memref<!tpu.dma_semaphore, #tpu.memory_space<semaphore_mem>>
          %dma_start3A_48 = arith.constant 0 : i32
          %dma_start3A_49 = tpu.memref_slice %arg4[%add3A, %mul3A_47, %dma_start3A_48] : memref<32x80x128xi32, #tpu.memory_space<hbm>> -> memref<1x40x128xi32, #tpu.memory_space<hbm>>
          %dma_start3A_50 = tpu.memref_squeeze %dma_start3A_49 : memref<1x40x128xi32, #tpu.memory_space<hbm>> -> memref<40x128xi32, #tpu.memory_space<hbm>>
          %dma_start3A_51 = arith.constant 0 : i32
          %dma_start3A_52 = tpu.memref_slice %arg4[%add3A, %mul3A_47, %dma_start3A_51] : memref<32x80x128xi32, #tpu.memory_space<hbm>> -> memref<1x40x128xi32, #tpu.memory_space<hbm>>
          %dma_start3A_53 = tpu.memref_squeeze %dma_start3A_52 : memref<1x40x128xi32, #tpu.memory_space<hbm>> -> memref<40x128xi32, #tpu.memory_space<hbm>>
          tpu.enqueue_dma source(%dma_start3A_53 : memref<40x128xi32, #tpu.memory_space<hbm>>) target(%arg8 : memref<40x128xi32, #tpu.memory_space<vmem>>) target_semaphore(%run_scoped3A : memref<!tpu.dma_semaphore, #tpu.memory_space<semaphore_mem>>)
          %dma_wait3A_54 = arith.constant 0 : i32
          %dma_wait3A_55 = tpu.memref_slice %arg4[%add3A, %mul3A_47, %dma_wait3A_54] : memref<32x80x128xi32, #tpu.memory_space<hbm>> -> memref<1x40x128xi32, #tpu.memory_space<hbm>>
          %dma_wait3A_56 = tpu.memref_squeeze %dma_wait3A_55 : memref<1x40x128xi32, #tpu.memory_space<hbm>> -> memref<40x128xi32, #tpu.memory_space<hbm>>
          %dma_wait3A_57 = arith.constant 0 : i32
          %dma_wait3A_58 = tpu.memref_slice %arg4[%add3A, %mul3A_47, %dma_wait3A_57] : memref<32x80x128xi32, #tpu.memory_space<hbm>> -> memref<1x40x128xi32, #tpu.memory_space<hbm>>
          %dma_wait3A_59 = tpu.memref_squeeze %dma_wait3A_58 : memref<1x40x128xi32, #tpu.memory_space<hbm>> -> memref<40x128xi32, #tpu.memory_space<hbm>>
          tpu.wait_dma2 semaphore(%run_scoped3A : memref<!tpu.dma_semaphore, #tpu.memory_space<semaphore_mem>>) src(%dma_wait3A_59 : memref<40x128xi32, #tpu.memory_space<hbm>>) dst(%arg8 : memref<40x128xi32, #tpu.memory_space<vmem>>)
          tpu.yield
        }) : () -> ()
      } else {
      }
      %gt3A_34 = arith.constant 0 : i32
      %gt3A_35 = arith.cmpi sgt, %min3A_30, %gt3A_34 : i32
      %convert_element_type3A_36 = arith.extui %gt3A_35 : i1 to i32
      %cond3A_37 = arith.constant 0 : i32
      %cond3A_38 = arith.cmpi ne, %convert_element_type3A_36, %cond3A_37 : i32
      scf.if %cond3A_38 {
        %dma_start3A_44 = arith.constant 0 : i32
        %dma_start3A_45 = arith.constant 0 : i32
        %dma_start3A_46 = arith.constant 0 : i32
        %dma_start3A_47 = arith.constant 0 : i32
        %dma_start3A_48 = tpu.memref_slice %arg9[%dma_start3A_45, %dma_start3A_46, %dma_start3A_47] : memref<2x128x128xf32, #tpu.memory_space<vmem>> -> memref<1x128x128xf32, #tpu.memory_space<vmem>>
        %dma_start3A_49 = tpu.memref_squeeze %dma_start3A_48 : memref<1x128x128xf32, #tpu.memory_space<vmem>> -> memref<128x128xf32, #tpu.memory_space<vmem>>
        %dma_start3A_50 = arith.constant 0 : i32
        %dma_start3A_51 = tpu.memref_slice %arg7[%dma_start3A_44, %dma_start3A_50] : memref<40x128xi32, #tpu.memory_space<vmem>> -> memref<1x128xi32, #tpu.memory_space<vmem>>
        %dma_start3A_52 = tpu.memref_squeeze %dma_start3A_51 : memref<1x128xi32, #tpu.memory_space<vmem>> -> memref<128xi32, #tpu.memory_space<vmem>>
        %dma_start3A_53 = arith.constant 0 : i32
        %dma_start3A_54 = arith.constant 0 : i32
        %dma_start3A_55 = tpu.memref_slice %arg2[%dma_start3A_53, %dma_start3A_54] : memref<10240x128xf32, #tpu.memory_space<hbm>> -> memref<10240x128xf32, #tpu.memory_space<hbm>>
        tpu.enqueue_indirect_dma source(%dma_start3A_55 : memref<10240x128xf32, #tpu.memory_space<hbm>>) target(%dma_start3A_49 : memref<128x128xf32, #tpu.memory_space<vmem>>) offsets(%dma_start3A_52 : memref<128xi32, #tpu.memory_space<vmem>>) semaphore(%arg10 : memref<!tpu.dma_semaphore, #tpu.memory_space<semaphore_mem>>)
      } else {
      }
      %scan3A_39 = arith.constant 0 : i32
      %scan3A_40 = arith.constant 20 : i32
      %scan3A_41 = arith.addi %scan3A_39, %scan3A_40 : i32
      %scan3A_42 = arith.constant 1 : i32
      scf.for %scan3A_44 = %scan3A_39 to %scan3A_41 step %scan3A_42  : i32 {
        %mul3A_45 = arith.constant 2 : i32
        %mul3A_46 = arith.muli %scan3A_44, %mul3A_45 : i32
        %add3A_47 = arith.constant 0 : i32
        %add3A_48 = arith.addi %add3A_47, %mul3A_46 : i32
        %add3A_49 = arith.constant 0 : i32
        %add3A_50 = arith.addi %add3A_48, %add3A_49 : i32
        %add3A_51 = arith.constant 1 : i32
        %add3A_52 = arith.addi %add3A_50, %add3A_51 : i32
        %lt3A_53 = arith.cmpi slt, %add3A_52, %min3A_30 : i32
        %convert_element_type3A_54 = arith.extui %lt3A_53 : i1 to i32
        %cond3A_55 = arith.constant 0 : i32
        %cond3A_56 = arith.cmpi ne, %convert_element_type3A_54, %cond3A_55 : i32
        scf.if %cond3A_56 {
          %add3A_73 = arith.constant 1 : i32
          %add3A_74 = arith.addi %add3A_50, %add3A_73 : i32
          %dma_start3A_75 = arith.constant 1 : i32
          %dma_start3A_76 = arith.constant 0 : i32
          %dma_start3A_77 = arith.constant 0 : i32
          %dma_start3A_78 = tpu.memref_slice %arg9[%dma_start3A_75, %dma_start3A_76, %dma_start3A_77] : memref<2x128x128xf32, #tpu.memory_space<vmem>> -> memref<1x128x128xf32, #tpu.memory_space<vmem>>
          %dma_start3A_79 = tpu.memref_squeeze %dma_start3A_78 : memref<1x128x128xf32, #tpu.memory_space<vmem>> -> memref<128x128xf32, #tpu.memory_space<vmem>>
          %dma_start3A_80 = arith.constant 0 : i32
          %dma_start3A_81 = tpu.memref_slice %arg7[%add3A_74, %dma_start3A_80] : memref<40x128xi32, #tpu.memory_space<vmem>> -> memref<1x128xi32, #tpu.memory_space<vmem>>
          %dma_start3A_82 = tpu.memref_squeeze %dma_start3A_81 : memref<1x128xi32, #tpu.memory_space<vmem>> -> memref<128xi32, #tpu.memory_space<vmem>>
          %dma_start3A_83 = arith.constant 0 : i32
          %dma_start3A_84 = arith.constant 0 : i32
          %dma_start3A_85 = tpu.memref_slice %arg2[%dma_start3A_83, %dma_start3A_84] : memref<10240x128xf32, #tpu.memory_space<hbm>> -> memref<10240x128xf32, #tpu.memory_space<hbm>>
          tpu.enqueue_indirect_dma source(%dma_start3A_85 : memref<10240x128xf32, #tpu.memory_space<hbm>>) target(%dma_start3A_79 : memref<128x128xf32, #tpu.memory_space<vmem>>) offsets(%dma_start3A_82 : memref<128xi32, #tpu.memory_space<vmem>>) semaphore(%arg11 : memref<!tpu.dma_semaphore, #tpu.memory_space<semaphore_mem>>)
        } else {
        }
        %lt3A_57 = arith.cmpi slt, %add3A_50, %min3A_30 : i32
        %convert_element_type3A_58 = arith.extui %lt3A_57 : i1 to i32
        %cond3A_59 = arith.constant 0 : i32
        %cond3A_60 = arith.cmpi ne, %convert_element_type3A_58, %cond3A_59 : i32
        scf.if %cond3A_60 {
          %dma_wait3A_73 = arith.constant 0 : i32
          %dma_wait3A_74 = arith.constant 0 : i32
          %dma_wait3A_75 = arith.constant 0 : i32
          %dma_wait3A_76 = tpu.memref_slice %arg9[%dma_wait3A_73, %dma_wait3A_74, %dma_wait3A_75] : memref<2x128x128xf32, #tpu.memory_space<vmem>> -> memref<1x128x128xf32, #tpu.memory_space<vmem>>
          %dma_wait3A_77 = tpu.memref_squeeze %dma_wait3A_76 : memref<1x128x128xf32, #tpu.memory_space<vmem>> -> memref<128x128xf32, #tpu.memory_space<vmem>>
          %dma_wait3A_78 = arith.constant 0 : i32
          %dma_wait3A_79 = tpu.memref_slice %arg7[%add3A_50, %dma_wait3A_78] : memref<40x128xi32, #tpu.memory_space<vmem>> -> memref<1x128xi32, #tpu.memory_space<vmem>>
          %dma_wait3A_80 = tpu.memref_squeeze %dma_wait3A_79 : memref<1x128xi32, #tpu.memory_space<vmem>> -> memref<128xi32, #tpu.memory_space<vmem>>
          %dma_wait3A_81 = arith.constant 0 : i32
          %dma_wait3A_82 = arith.constant 0 : i32
          %dma_wait3A_83 = tpu.memref_slice %arg2[%dma_wait3A_81, %dma_wait3A_82] : memref<10240x128xf32, #tpu.memory_space<hbm>> -> memref<10240x128xf32, #tpu.memory_space<hbm>>
          tpu.wait_indirect_dma semaphore(%arg10 : memref<!tpu.dma_semaphore, #tpu.memory_space<semaphore_mem>>) src(%dma_wait3A_83 : memref<10240x128xf32, #tpu.memory_space<hbm>>) dst(%dma_wait3A_77 : memref<128x128xf32, #tpu.memory_space<vmem>>)
          %run_scoped3A = arith.constant 0 : i32
          "tpu.region"() ({
            %run_scoped3A_84 = tpu.sem_alloc : memref<!tpu.dma_semaphore, #tpu.memory_space<semaphore_mem>>
            %dma_start3A_85 = arith.constant 0 : i32
            %dma_start3A_86 = arith.constant 0 : i32
            %dma_start3A_87 = tpu.memref_slice %arg9[%run_scoped3A, %dma_start3A_85, %dma_start3A_86] : memref<2x128x128xf32, #tpu.memory_space<vmem>> -> memref<1x128x128xf32, #tpu.memory_space<vmem>>
            %dma_start3A_88 = tpu.memref_squeeze %dma_start3A_87 : memref<1x128x128xf32, #tpu.memory_space<vmem>> -> memref<128x128xf32, #tpu.memory_space<vmem>>
            %dma_start3A_89 = arith.constant 0 : i32
            %dma_start3A_90 = tpu.memref_slice %arg8[%add3A_50, %dma_start3A_89] : memref<40x128xi32, #tpu.memory_space<vmem>> -> memref<1x128xi32, #tpu.memory_space<vmem>>
            %dma_start3A_91 = tpu.memref_squeeze %dma_start3A_90 : memref<1x128xi32, #tpu.memory_space<vmem>> -> memref<128xi32, #tpu.memory_space<vmem>>
            %dma_start3A_92 = arith.constant 0 : i32
            %dma_start3A_93 = arith.constant 0 : i32
            %dma_start3A_94 = tpu.memref_slice %arg6[%dma_start3A_92, %dma_start3A_93] : memref<10240x128xf32, #tpu.memory_space<vmem_shared>> -> memref<10240x128xf32, #tpu.memory_space<vmem_shared>>
            tpu.enqueue_indirect_dma source(%dma_start3A_88 : memref<128x128xf32, #tpu.memory_space<vmem>>) target(%dma_start3A_94 : memref<10240x128xf32, #tpu.memory_space<vmem_shared>>) offsets(%dma_start3A_91 : memref<128xi32, #tpu.memory_space<vmem>>) semaphore(%run_scoped3A_84 : memref<!tpu.dma_semaphore, #tpu.memory_space<semaphore_mem>>) {add = true}
            %dma_wait3A_95 = arith.constant 0 : i32
            %dma_wait3A_96 = arith.constant 0 : i32
            %dma_wait3A_97 = tpu.memref_slice %arg9[%run_scoped3A, %dma_wait3A_95, %dma_wait3A_96] : memref<2x128x128xf32, #tpu.memory_space<vmem>> -> memref<1x128x128xf32, #tpu.memory_space<vmem>>
            %dma_wait3A_98 = tpu.memref_squeeze %dma_wait3A_97 : memref<1x128x128xf32, #tpu.memory_space<vmem>> -> memref<128x128xf32, #tpu.memory_space<vmem>>
            %dma_wait3A_99 = arith.constant 0 : i32
            %dma_wait3A_100 = tpu.memref_slice %arg8[%add3A_50, %dma_wait3A_99] : memref<40x128xi32, #tpu.memory_space<vmem>> -> memref<1x128xi32, #tpu.memory_space<vmem>>
            %dma_wait3A_101 = tpu.memref_squeeze %dma_wait3A_100 : memref<1x128xi32, #tpu.memory_space<vmem>> -> memref<128xi32, #tpu.memory_space<vmem>>
            %dma_wait3A_102 = arith.constant 0 : i32
            %dma_wait3A_103 = arith.constant 0 : i32
            %dma_wait3A_104 = tpu.memref_slice %arg6[%dma_wait3A_102, %dma_wait3A_103] : memref<10240x128xf32, #tpu.memory_space<vmem_shared>> -> memref<10240x128xf32, #tpu.memory_space<vmem_shared>>
            tpu.wait_indirect_dma semaphore(%run_scoped3A_84 : memref<!tpu.dma_semaphore, #tpu.memory_space<semaphore_mem>>) src(%dma_wait3A_98 : memref<128x128xf32, #tpu.memory_space<vmem>>) dst(%dma_wait3A_104 : memref<10240x128xf32, #tpu.memory_space<vmem_shared>>)
            tpu.yield
          }) : () -> ()
        } else {
        }
        %add3A_61 = arith.constant 1 : i32
        %add3A_62 = arith.addi %add3A_48, %add3A_61 : i32
        %add3A_63 = arith.constant 1 : i32
        %add3A_64 = arith.addi %add3A_62, %add3A_63 : i32
        %lt3A_65 = arith.cmpi slt, %add3A_64, %min3A_30 : i32
        %convert_element_type3A_66 = arith.extui %lt3A_65 : i1 to i32
        %cond3A_67 = arith.constant 0 : i32
        %cond3A_68 = arith.cmpi ne, %convert_element_type3A_66, %cond3A_67 : i32
        scf.if %cond3A_68 {
          %add3A_73 = arith.constant 1 : i32
          %add3A_74 = arith.addi %add3A_62, %add3A_73 : i32
          %dma_start3A_75 = arith.constant 0 : i32
          %dma_start3A_76 = arith.constant 0 : i32
          %dma_start3A_77 = arith.constant 0 : i32
          %dma_start3A_78 = tpu.memref_slice %arg9[%dma_start3A_75, %dma_start3A_76, %dma_start3A_77] : memref<2x128x128xf32, #tpu.memory_space<vmem>> -> memref<1x128x128xf32, #tpu.memory_space<vmem>>
          %dma_start3A_79 = tpu.memref_squeeze %dma_start3A_78 : memref<1x128x128xf32, #tpu.memory_space<vmem>> -> memref<128x128xf32, #tpu.memory_space<vmem>>
          %dma_start3A_80 = arith.constant 0 : i32
          %dma_start3A_81 = tpu.memref_slice %arg7[%add3A_74, %dma_start3A_80] : memref<40x128xi32, #tpu.memory_space<vmem>> -> memref<1x128xi32, #tpu.memory_space<vmem>>
          %dma_start3A_82 = tpu.memref_squeeze %dma_start3A_81 : memref<1x128xi32, #tpu.memory_space<vmem>> -> memref<128xi32, #tpu.memory_space<vmem>>
          %dma_start3A_83 = arith.constant 0 : i32
          %dma_start3A_84 = arith.constant 0 : i32
          %dma_start3A_85 = tpu.memref_slice %arg2[%dma_start3A_83, %dma_start3A_84] : memref<10240x128xf32, #tpu.memory_space<hbm>> -> memref<10240x128xf32, #tpu.memory_space<hbm>>
          tpu.enqueue_indirect_dma source(%dma_start3A_85 : memref<10240x128xf32, #tpu.memory_space<hbm>>) target(%dma_start3A_79 : memref<128x128xf32, #tpu.memory_space<vmem>>) offsets(%dma_start3A_82 : memref<128xi32, #tpu.memory_space<vmem>>) semaphore(%arg10 : memref<!tpu.dma_semaphore, #tpu.memory_space<semaphore_mem>>)
        } else {
        }
        %lt3A_69 = arith.cmpi slt, %add3A_62, %min3A_30 : i32
        %convert_element_type3A_70 = arith.extui %lt3A_69 : i1 to i32
        %cond3A_71 = arith.constant 0 : i32
        %cond3A_72 = arith.cmpi ne, %convert_element_type3A_70, %cond3A_71 : i32
        scf.if %cond3A_72 {
          %dma_wait3A_73 = arith.constant 1 : i32
          %dma_wait3A_74 = arith.constant 0 : i32
          %dma_wait3A_75 = arith.constant 0 : i32
          %dma_wait3A_76 = tpu.memref_slice %arg9[%dma_wait3A_73, %dma_wait3A_74, %dma_wait3A_75] : memref<2x128x128xf32, #tpu.memory_space<vmem>> -> memref<1x128x128xf32, #tpu.memory_space<vmem>>
          %dma_wait3A_77 = tpu.memref_squeeze %dma_wait3A_76 : memref<1x128x128xf32, #tpu.memory_space<vmem>> -> memref<128x128xf32, #tpu.memory_space<vmem>>
          %dma_wait3A_78 = arith.constant 0 : i32
          %dma_wait3A_79 = tpu.memref_slice %arg7[%add3A_62, %dma_wait3A_78] : memref<40x128xi32, #tpu.memory_space<vmem>> -> memref<1x128xi32, #tpu.memory_space<vmem>>
          %dma_wait3A_80 = tpu.memref_squeeze %dma_wait3A_79 : memref<1x128xi32, #tpu.memory_space<vmem>> -> memref<128xi32, #tpu.memory_space<vmem>>
          %dma_wait3A_81 = arith.constant 0 : i32
          %dma_wait3A_82 = arith.constant 0 : i32
          %dma_wait3A_83 = tpu.memref_slice %arg2[%dma_wait3A_81, %dma_wait3A_82] : memref<10240x128xf32, #tpu.memory_space<hbm>> -> memref<10240x128xf32, #tpu.memory_space<hbm>>
          tpu.wait_indirect_dma semaphore(%arg11 : memref<!tpu.dma_semaphore, #tpu.memory_space<semaphore_mem>>) src(%dma_wait3A_83 : memref<10240x128xf32, #tpu.memory_space<hbm>>) dst(%dma_wait3A_77 : memref<128x128xf32, #tpu.memory_space<vmem>>)
          %run_scoped3A = arith.constant 1 : i32
          "tpu.region"() ({
            %run_scoped3A_84 = tpu.sem_alloc : memref<!tpu.dma_semaphore, #tpu.memory_space<semaphore_mem>>
            %dma_start3A_85 = arith.constant 0 : i32
            %dma_start3A_86 = arith.constant 0 : i32
            %dma_start3A_87 = tpu.memref_slice %arg9[%run_scoped3A, %dma_start3A_85, %dma_start3A_86] : memref<2x128x128xf32, #tpu.memory_space<vmem>> -> memref<1x128x128xf32, #tpu.memory_space<vmem>>
            %dma_start3A_88 = tpu.memref_squeeze %dma_start3A_87 : memref<1x128x128xf32, #tpu.memory_space<vmem>> -> memref<128x128xf32, #tpu.memory_space<vmem>>
            %dma_start3A_89 = arith.constant 0 : i32
            %dma_start3A_90 = tpu.memref_slice %arg8[%add3A_62, %dma_start3A_89] : memref<40x128xi32, #tpu.memory_space<vmem>> -> memref<1x128xi32, #tpu.memory_space<vmem>>
            %dma_start3A_91 = tpu.memref_squeeze %dma_start3A_90 : memref<1x128xi32, #tpu.memory_space<vmem>> -> memref<128xi32, #tpu.memory_space<vmem>>
            %dma_start3A_92 = arith.constant 0 : i32
            %dma_start3A_93 = arith.constant 0 : i32
            %dma_start3A_94 = tpu.memref_slice %arg6[%dma_start3A_92, %dma_start3A_93] : memref<10240x128xf32, #tpu.memory_space<vmem_shared>> -> memref<10240x128xf32, #tpu.memory_space<vmem_shared>>
            tpu.enqueue_indirect_dma source(%dma_start3A_88 : memref<128x128xf32, #tpu.memory_space<vmem>>) target(%dma_start3A_94 : memref<10240x128xf32, #tpu.memory_space<vmem_shared>>) offsets(%dma_start3A_91 : memref<128xi32, #tpu.memory_space<vmem>>) semaphore(%run_scoped3A_84 : memref<!tpu.dma_semaphore, #tpu.memory_space<semaphore_mem>>) {add = true}
            %dma_wait3A_95 = arith.constant 0 : i32
            %dma_wait3A_96 = arith.constant 0 : i32
            %dma_wait3A_97 = tpu.memref_slice %arg9[%run_scoped3A, %dma_wait3A_95, %dma_wait3A_96] : memref<2x128x128xf32, #tpu.memory_space<vmem>> -> memref<1x128x128xf32, #tpu.memory_space<vmem>>
            %dma_wait3A_98 = tpu.memref_squeeze %dma_wait3A_97 : memref<1x128x128xf32, #tpu.memory_space<vmem>> -> memref<128x128xf32, #tpu.memory_space<vmem>>
            %dma_wait3A_99 = arith.constant 0 : i32
            %dma_wait3A_100 = tpu.memref_slice %arg8[%add3A_62, %dma_wait3A_99] : memref<40x128xi32, #tpu.memory_space<vmem>> -> memref<1x128xi32, #tpu.memory_space<vmem>>
            %dma_wait3A_101 = tpu.memref_squeeze %dma_wait3A_100 : memref<1x128xi32, #tpu.memory_space<vmem>> -> memref<128xi32, #tpu.memory_space<vmem>>
            %dma_wait3A_102 = arith.constant 0 : i32
            %dma_wait3A_103 = arith.constant 0 : i32
            %dma_wait3A_104 = tpu.memref_slice %arg6[%dma_wait3A_102, %dma_wait3A_103] : memref<10240x128xf32, #tpu.memory_space<vmem_shared>> -> memref<10240x128xf32, #tpu.memory_space<vmem_shared>>
            tpu.wait_indirect_dma semaphore(%run_scoped3A_84 : memref<!tpu.dma_semaphore, #tpu.memory_space<semaphore_mem>>) src(%dma_wait3A_98 : memref<128x128xf32, #tpu.memory_space<vmem>>) dst(%dma_wait3A_104 : memref<10240x128xf32, #tpu.memory_space<vmem_shared>>)
            tpu.yield
          }) : () -> ()
        } else {
        }
      }
      %scan3A_43 = arith.constant 20 : i32
    }
    %scan3A_17 = arith.constant 2 : i32
    %barrier3A_18 = arith.constant 0 : index
    tpu.barrier barrier_id(%barrier3A_18)
    %mul3A_19 = arith.constant 640 : i32
    %mul3A_20 = arith.muli %arg1, %mul3A_19 : i32
    %mul3A_21 = arith.constant 640 : i32
    %mul3A_22 = arith.muli %arg1, %mul3A_21 : i32
    "tpu.region"() ({
      %run_scoped3A = tpu.sem_alloc : memref<!tpu.dma_semaphore, #tpu.memory_space<semaphore_mem>>
      %dma_start3A_23 = arith.constant 0 : i32
      %dma_start3A_24 = tpu.memref_slice %arg5[%arg0, %mul3A_22, %dma_start3A_23] : memref<2x10240x128xf32, #tpu.memory_space<hbm>> -> memref<1x640x128xf32, #tpu.memory_space<hbm>>
      %dma_start3A_25 = tpu.memref_squeeze %dma_start3A_24 : memref<1x640x128xf32, #tpu.memory_space<hbm>> -> memref<640x128xf32, #tpu.memory_space<hbm>>
      %dma_start3A_26 = arith.constant 0 : i32
      %dma_start3A_27 = tpu.memref_slice %arg6[%mul3A_20, %dma_start3A_26] : memref<10240x128xf32, #tpu.memory_space<vmem_shared>> -> memref<640x128xf32, #tpu.memory_space<vmem_shared>>
      tpu.enqueue_dma source(%dma_start3A_27 : memref<640x128xf32, #tpu.memory_space<vmem_shared>>) target(%dma_start3A_25 : memref<640x128xf32, #tpu.memory_space<hbm>>) target_semaphore(%run_scoped3A : memref<!tpu.dma_semaphore, #tpu.memory_space<semaphore_mem>>)
      %dma_wait3A_28 = arith.constant 0 : i32
      %dma_wait3A_29 = tpu.memref_slice %arg5[%arg0, %mul3A_22, %dma_wait3A_28] : memref<2x10240x128xf32, #tpu.memory_space<hbm>> -> memref<1x640x128xf32, #tpu.memory_space<hbm>>
      %dma_wait3A_30 = tpu.memref_squeeze %dma_wait3A_29 : memref<1x640x128xf32, #tpu.memory_space<hbm>> -> memref<640x128xf32, #tpu.memory_space<hbm>>
      %dma_wait3A_31 = arith.constant 0 : i32
      %dma_wait3A_32 = tpu.memref_slice %arg6[%mul3A_20, %dma_wait3A_31] : memref<10240x128xf32, #tpu.memory_space<vmem_shared>> -> memref<640x128xf32, #tpu.memory_space<vmem_shared>>
      tpu.wait_dma2 semaphore(%run_scoped3A : memref<!tpu.dma_semaphore, #tpu.memory_space<semaphore_mem>>) src(%dma_wait3A_32 : memref<640x128xf32, #tpu.memory_space<vmem_shared>>) dst(%dma_wait3A_30 : memref<640x128xf32, #tpu.memory_space<hbm>>)
      tpu.yield
    }) : () -> ()
    return
  }
}

#map = affine_map<(d0, d1) -> (0, 0)>
#map1 = affine_map<(d0, d1) -> (0, 0, 0)>
module attributes {stable_mosaic.version = 14 : i64} {
  func.func @_agg_body(%arg0: i32, %arg1: i32, %arg2: memref<10240x128xf32, #tpu.memory_space<hbm>>, %arg3: memref<32x80x128xi32, #tpu.memory_space<hbm>>, %arg4: memref<32x80x128xi32, #tpu.memory_space<hbm>>, %arg5: memref<2x10240x128xf32, #tpu.memory_space<hbm>>, %arg6: memref<10240x128xf32, #tpu.memory_space<vmem_shared>>, %arg7: memref<40x128xi32, #tpu.memory_space<vmem>>, %arg8: memref<40x128xi32, #tpu.memory_space<vmem>>, %arg9: memref<2x128x128xf32, #tpu.memory_space<vmem>>, %arg10: memref<!tpu.dma_semaphore, #tpu.memory_space<semaphore_mem>>, %arg11: memref<!tpu.dma_semaphore, #tpu.memory_space<semaphore_mem>>, %arg12: memref<!tpu.dma_semaphore, #tpu.memory_space<semaphore_mem>>) attributes {dimension_semantics = [#tpu.dimension_semantics<core_parallel>, #tpu.dimension_semantics<subcore_parallel>], iteration_bounds = array<i64: 2, 16>, scalar_prefetch = 0 : i64, scratch_operands = 7 : i64, tpu.core_type = #tpu.core_type<sc_vector_subcore>, window_params = [{transform_indices = #map}, {transform_indices = #map1}, {transform_indices = #map1}, {transform_indices = #map1}]} {
    %mul3A = arith.constant 16 : i32
    %mul3A_0 = arith.muli %arg0, %mul3A : i32
    %add3A = arith.addi %mul3A_0, %arg1 : i32
    %lt3A = arith.constant 4 : i32
    %lt3A_1 = arith.cmpi slt, %add3A, %lt3A : i32
    %convert_element_type3A = arith.extui %lt3A_1 : i1 to i32
    %add3A_2 = arith.constant 78 : i32
    %add3A_3 = arith.addi %add3A_2, %convert_element_type3A : i32
    %mul3A_4 = arith.constant 640 : i32
    %mul3A_5 = arith.muli %arg1, %mul3A_4 : i32
    %mul3A_6 = arith.constant 640 : i32
    %mul3A_7 = arith.muli %arg1, %mul3A_6 : i32
    %dma_start3A = arith.constant 0 : i32
    %dma_start3A_8 = tpu.memref_slice %arg6[%mul3A_7, %dma_start3A] : memref<10240x128xf32, #tpu.memory_space<vmem_shared>> -> memref<640x128xf32, #tpu.memory_space<vmem_shared>>
    %dma_start3A_9 = arith.constant 0 : i32
    %dma_start3A_10 = tpu.memref_slice %arg2[%mul3A_5, %dma_start3A_9] : memref<10240x128xf32, #tpu.memory_space<hbm>> -> memref<640x128xf32, #tpu.memory_space<hbm>>
    tpu.enqueue_dma source(%dma_start3A_10 : memref<640x128xf32, #tpu.memory_space<hbm>>) target(%dma_start3A_8 : memref<640x128xf32, #tpu.memory_space<vmem_shared>>) target_semaphore(%arg12 : memref<!tpu.dma_semaphore, #tpu.memory_space<semaphore_mem>>)
    "tpu.region"() ({
      %run_scoped3A = tpu.sem_alloc : memref<!tpu.dma_semaphore, #tpu.memory_space<semaphore_mem>>
      %dma_start3A_23 = arith.constant 0 : i32
      %dma_start3A_24 = arith.constant 0 : i32
      %dma_start3A_25 = tpu.memref_slice %arg3[%add3A, %dma_start3A_23, %dma_start3A_24] : memref<32x80x128xi32, #tpu.memory_space<hbm>> -> memref<1x40x128xi32, #tpu.memory_space<hbm>>
      %dma_start3A_26 = tpu.memref_squeeze %dma_start3A_25 : memref<1x40x128xi32, #tpu.memory_space<hbm>> -> memref<40x128xi32, #tpu.memory_space<hbm>>
      %dma_start3A_27 = arith.constant 0 : i32
      %dma_start3A_28 = arith.constant 0 : i32
      %dma_start3A_29 = tpu.memref_slice %arg3[%add3A, %dma_start3A_27, %dma_start3A_28] : memref<32x80x128xi32, #tpu.memory_space<hbm>> -> memref<1x40x128xi32, #tpu.memory_space<hbm>>
      %dma_start3A_30 = tpu.memref_squeeze %dma_start3A_29 : memref<1x40x128xi32, #tpu.memory_space<hbm>> -> memref<40x128xi32, #tpu.memory_space<hbm>>
      tpu.enqueue_dma source(%dma_start3A_30 : memref<40x128xi32, #tpu.memory_space<hbm>>) target(%arg7 : memref<40x128xi32, #tpu.memory_space<vmem>>) target_semaphore(%run_scoped3A : memref<!tpu.dma_semaphore, #tpu.memory_space<semaphore_mem>>)
      %dma_wait3A_31 = arith.constant 0 : i32
      %dma_wait3A_32 = arith.constant 0 : i32
      %dma_wait3A_33 = tpu.memref_slice %arg3[%add3A, %dma_wait3A_31, %dma_wait3A_32] : memref<32x80x128xi32, #tpu.memory_space<hbm>> -> memref<1x40x128xi32, #tpu.memory_space<hbm>>
      %dma_wait3A_34 = tpu.memref_squeeze %dma_wait3A_33 : memref<1x40x128xi32, #tpu.memory_space<hbm>> -> memref<40x128xi32, #tpu.memory_space<hbm>>
      %dma_wait3A_35 = arith.constant 0 : i32
      %dma_wait3A_36 = arith.constant 0 : i32
      %dma_wait3A_37 = tpu.memref_slice %arg3[%add3A, %dma_wait3A_35, %dma_wait3A_36] : memref<32x80x128xi32, #tpu.memory_space<hbm>> -> memref<1x40x128xi32, #tpu.memory_space<hbm>>
      %dma_wait3A_38 = tpu.memref_squeeze %dma_wait3A_37 : memref<1x40x128xi32, #tpu.memory_space<hbm>> -> memref<40x128xi32, #tpu.memory_space<hbm>>
      tpu.wait_dma2 semaphore(%run_scoped3A : memref<!tpu.dma_semaphore, #tpu.memory_space<semaphore_mem>>) src(%dma_wait3A_38 : memref<40x128xi32, #tpu.memory_space<hbm>>) dst(%arg7 : memref<40x128xi32, #tpu.memory_space<vmem>>)
      tpu.yield
    }) : () -> ()
    "tpu.region"() ({
      %run_scoped3A = tpu.sem_alloc : memref<!tpu.dma_semaphore, #tpu.memory_space<semaphore_mem>>
      %dma_start3A_23 = arith.constant 0 : i32
      %dma_start3A_24 = arith.constant 0 : i32
      %dma_start3A_25 = tpu.memref_slice %arg4[%add3A, %dma_start3A_23, %dma_start3A_24] : memref<32x80x128xi32, #tpu.memory_space<hbm>> -> memref<1x40x128xi32, #tpu.memory_space<hbm>>
      %dma_start3A_26 = tpu.memref_squeeze %dma_start3A_25 : memref<1x40x128xi32, #tpu.memory_space<hbm>> -> memref<40x128xi32, #tpu.memory_space<hbm>>
      %dma_start3A_27 = arith.constant 0 : i32
      %dma_start3A_28 = arith.constant 0 : i32
      %dma_start3A_29 = tpu.memref_slice %arg4[%add3A, %dma_start3A_27, %dma_start3A_28] : memref<32x80x128xi32, #tpu.memory_space<hbm>> -> memref<1x40x128xi32, #tpu.memory_space<hbm>>
      %dma_start3A_30 = tpu.memref_squeeze %dma_start3A_29 : memref<1x40x128xi32, #tpu.memory_space<hbm>> -> memref<40x128xi32, #tpu.memory_space<hbm>>
      tpu.enqueue_dma source(%dma_start3A_30 : memref<40x128xi32, #tpu.memory_space<hbm>>) target(%arg8 : memref<40x128xi32, #tpu.memory_space<vmem>>) target_semaphore(%run_scoped3A : memref<!tpu.dma_semaphore, #tpu.memory_space<semaphore_mem>>)
      %dma_wait3A_31 = arith.constant 0 : i32
      %dma_wait3A_32 = arith.constant 0 : i32
      %dma_wait3A_33 = tpu.memref_slice %arg4[%add3A, %dma_wait3A_31, %dma_wait3A_32] : memref<32x80x128xi32, #tpu.memory_space<hbm>> -> memref<1x40x128xi32, #tpu.memory_space<hbm>>
      %dma_wait3A_34 = tpu.memref_squeeze %dma_wait3A_33 : memref<1x40x128xi32, #tpu.memory_space<hbm>> -> memref<40x128xi32, #tpu.memory_space<hbm>>
      %dma_wait3A_35 = arith.constant 0 : i32
      %dma_wait3A_36 = arith.constant 0 : i32
      %dma_wait3A_37 = tpu.memref_slice %arg4[%add3A, %dma_wait3A_35, %dma_wait3A_36] : memref<32x80x128xi32, #tpu.memory_space<hbm>> -> memref<1x40x128xi32, #tpu.memory_space<hbm>>
      %dma_wait3A_38 = tpu.memref_squeeze %dma_wait3A_37 : memref<1x40x128xi32, #tpu.memory_space<hbm>> -> memref<40x128xi32, #tpu.memory_space<hbm>>
      tpu.wait_dma2 semaphore(%run_scoped3A : memref<!tpu.dma_semaphore, #tpu.memory_space<semaphore_mem>>) src(%dma_wait3A_38 : memref<40x128xi32, #tpu.memory_space<hbm>>) dst(%arg8 : memref<40x128xi32, #tpu.memory_space<vmem>>)
      tpu.yield
    }) : () -> ()
    %dma_wait3A = arith.constant 0 : i32
    %dma_wait3A_11 = tpu.memref_slice %arg6[%mul3A_7, %dma_wait3A] : memref<10240x128xf32, #tpu.memory_space<vmem_shared>> -> memref<640x128xf32, #tpu.memory_space<vmem_shared>>
    %dma_wait3A_12 = arith.constant 0 : i32
    %dma_wait3A_13 = tpu.memref_slice %arg2[%mul3A_5, %dma_wait3A_12] : memref<10240x128xf32, #tpu.memory_space<hbm>> -> memref<640x128xf32, #tpu.memory_space<hbm>>
    tpu.wait_dma2 semaphore(%arg12 : memref<!tpu.dma_semaphore, #tpu.memory_space<semaphore_mem>>) src(%dma_wait3A_13 : memref<640x128xf32, #tpu.memory_space<hbm>>) dst(%dma_wait3A_11 : memref<640x128xf32, #tpu.memory_space<vmem_shared>>)
    %barrier3A = arith.constant 0 : index
    tpu.barrier barrier_id(%barrier3A)
    %scan3A = arith.constant 0 : i32
    %scan3A_14 = arith.constant 2 : i32
    %scan3A_15 = arith.addi %scan3A, %scan3A_14 : i32
    %scan3A_16 = arith.constant 1 : i32
    scf.for %scan3A_23 = %scan3A to %scan3A_15 step %scan3A_16  : i32 {
      %mul3A_24 = arith.constant 1 : i32
      %mul3A_25 = arith.muli %scan3A_23, %mul3A_24 : i32
      %add3A_26 = arith.constant 0 : i32
      %add3A_27 = arith.addi %add3A_26, %mul3A_25 : i32
      %mul3A_28 = arith.constant 40 : i32
      %mul3A_29 = arith.muli %add3A_27, %mul3A_28 : i32
      %sub3A = arith.subi %add3A_3, %mul3A_29 : i32
      %min3A = arith.constant 40 : i32
      %min3A_30 = arith.minsi %sub3A, %min3A : i32
      %gt3A = arith.constant 0 : i32
      %gt3A_31 = arith.cmpi sgt, %add3A_27, %gt3A : i32
      %convert_element_type3A_32 = arith.extui %gt3A_31 : i1 to i32
      %cond3A = arith.constant 0 : i32
      %cond3A_33 = arith.cmpi ne, %convert_element_type3A_32, %cond3A : i32
      scf.if %cond3A_33 {
        %mul3A_44 = arith.constant 40 : i32
        %mul3A_45 = arith.muli %add3A_27, %mul3A_44 : i32
        "tpu.region"() ({
          %run_scoped3A = tpu.sem_alloc : memref<!tpu.dma_semaphore, #tpu.memory_space<semaphore_mem>>
          %dma_start3A_48 = arith.constant 0 : i32
          %dma_start3A_49 = tpu.memref_slice %arg3[%add3A, %mul3A_45, %dma_start3A_48] : memref<32x80x128xi32, #tpu.memory_space<hbm>> -> memref<1x40x128xi32, #tpu.memory_space<hbm>>
          %dma_start3A_50 = tpu.memref_squeeze %dma_start3A_49 : memref<1x40x128xi32, #tpu.memory_space<hbm>> -> memref<40x128xi32, #tpu.memory_space<hbm>>
          %dma_start3A_51 = arith.constant 0 : i32
          %dma_start3A_52 = tpu.memref_slice %arg3[%add3A, %mul3A_45, %dma_start3A_51] : memref<32x80x128xi32, #tpu.memory_space<hbm>> -> memref<1x40x128xi32, #tpu.memory_space<hbm>>
          %dma_start3A_53 = tpu.memref_squeeze %dma_start3A_52 : memref<1x40x128xi32, #tpu.memory_space<hbm>> -> memref<40x128xi32, #tpu.memory_space<hbm>>
          tpu.enqueue_dma source(%dma_start3A_53 : memref<40x128xi32, #tpu.memory_space<hbm>>) target(%arg7 : memref<40x128xi32, #tpu.memory_space<vmem>>) target_semaphore(%run_scoped3A : memref<!tpu.dma_semaphore, #tpu.memory_space<semaphore_mem>>)
          %dma_wait3A_54 = arith.constant 0 : i32
          %dma_wait3A_55 = tpu.memref_slice %arg3[%add3A, %mul3A_45, %dma_wait3A_54] : memref<32x80x128xi32, #tpu.memory_space<hbm>> -> memref<1x40x128xi32, #tpu.memory_space<hbm>>
          %dma_wait3A_56 = tpu.memref_squeeze %dma_wait3A_55 : memref<1x40x128xi32, #tpu.memory_space<hbm>> -> memref<40x128xi32, #tpu.memory_space<hbm>>
          %dma_wait3A_57 = arith.constant 0 : i32
          %dma_wait3A_58 = tpu.memref_slice %arg3[%add3A, %mul3A_45, %dma_wait3A_57] : memref<32x80x128xi32, #tpu.memory_space<hbm>> -> memref<1x40x128xi32, #tpu.memory_space<hbm>>
          %dma_wait3A_59 = tpu.memref_squeeze %dma_wait3A_58 : memref<1x40x128xi32, #tpu.memory_space<hbm>> -> memref<40x128xi32, #tpu.memory_space<hbm>>
          tpu.wait_dma2 semaphore(%run_scoped3A : memref<!tpu.dma_semaphore, #tpu.memory_space<semaphore_mem>>) src(%dma_wait3A_59 : memref<40x128xi32, #tpu.memory_space<hbm>>) dst(%arg7 : memref<40x128xi32, #tpu.memory_space<vmem>>)
          tpu.yield
        }) : () -> ()
        %mul3A_46 = arith.constant 40 : i32
        %mul3A_47 = arith.muli %add3A_27, %mul3A_46 : i32
        "tpu.region"() ({
          %run_scoped3A = tpu.sem_alloc : memref<!tpu.dma_semaphore, #tpu.memory_space<semaphore_mem>>
          %dma_start3A_48 = arith.constant 0 : i32
          %dma_start3A_49 = tpu.memref_slice %arg4[%add3A, %mul3A_47, %dma_start3A_48] : memref<32x80x128xi32, #tpu.memory_space<hbm>> -> memref<1x40x128xi32, #tpu.memory_space<hbm>>
          %dma_start3A_50 = tpu.memref_squeeze %dma_start3A_49 : memref<1x40x128xi32, #tpu.memory_space<hbm>> -> memref<40x128xi32, #tpu.memory_space<hbm>>
          %dma_start3A_51 = arith.constant 0 : i32
          %dma_start3A_52 = tpu.memref_slice %arg4[%add3A, %mul3A_47, %dma_start3A_51] : memref<32x80x128xi32, #tpu.memory_space<hbm>> -> memref<1x40x128xi32, #tpu.memory_space<hbm>>
          %dma_start3A_53 = tpu.memref_squeeze %dma_start3A_52 : memref<1x40x128xi32, #tpu.memory_space<hbm>> -> memref<40x128xi32, #tpu.memory_space<hbm>>
          tpu.enqueue_dma source(%dma_start3A_53 : memref<40x128xi32, #tpu.memory_space<hbm>>) target(%arg8 : memref<40x128xi32, #tpu.memory_space<vmem>>) target_semaphore(%run_scoped3A : memref<!tpu.dma_semaphore, #tpu.memory_space<semaphore_mem>>)
          %dma_wait3A_54 = arith.constant 0 : i32
          %dma_wait3A_55 = tpu.memref_slice %arg4[%add3A, %mul3A_47, %dma_wait3A_54] : memref<32x80x128xi32, #tpu.memory_space<hbm>> -> memref<1x40x128xi32, #tpu.memory_space<hbm>>
          %dma_wait3A_56 = tpu.memref_squeeze %dma_wait3A_55 : memref<1x40x128xi32, #tpu.memory_space<hbm>> -> memref<40x128xi32, #tpu.memory_space<hbm>>
          %dma_wait3A_57 = arith.constant 0 : i32
          %dma_wait3A_58 = tpu.memref_slice %arg4[%add3A, %mul3A_47, %dma_wait3A_57] : memref<32x80x128xi32, #tpu.memory_space<hbm>> -> memref<1x40x128xi32, #tpu.memory_space<hbm>>
          %dma_wait3A_59 = tpu.memref_squeeze %dma_wait3A_58 : memref<1x40x128xi32, #tpu.memory_space<hbm>> -> memref<40x128xi32, #tpu.memory_space<hbm>>
          tpu.wait_dma2 semaphore(%run_scoped3A : memref<!tpu.dma_semaphore, #tpu.memory_space<semaphore_mem>>) src(%dma_wait3A_59 : memref<40x128xi32, #tpu.memory_space<hbm>>) dst(%arg8 : memref<40x128xi32, #tpu.memory_space<vmem>>)
          tpu.yield
        }) : () -> ()
      } else {
      }
      %gt3A_34 = arith.constant 0 : i32
      %gt3A_35 = arith.cmpi sgt, %min3A_30, %gt3A_34 : i32
      %convert_element_type3A_36 = arith.extui %gt3A_35 : i1 to i32
      %cond3A_37 = arith.constant 0 : i32
      %cond3A_38 = arith.cmpi ne, %convert_element_type3A_36, %cond3A_37 : i32
      scf.if %cond3A_38 {
        %dma_start3A_44 = arith.constant 0 : i32
        %dma_start3A_45 = arith.constant 0 : i32
        %dma_start3A_46 = arith.constant 0 : i32
        %dma_start3A_47 = arith.constant 0 : i32
        %dma_start3A_48 = tpu.memref_slice %arg9[%dma_start3A_45, %dma_start3A_46, %dma_start3A_47] : memref<2x128x128xf32, #tpu.memory_space<vmem>> -> memref<1x128x128xf32, #tpu.memory_space<vmem>>
        %dma_start3A_49 = tpu.memref_squeeze %dma_start3A_48 : memref<1x128x128xf32, #tpu.memory_space<vmem>> -> memref<128x128xf32, #tpu.memory_space<vmem>>
        %dma_start3A_50 = arith.constant 0 : i32
        %dma_start3A_51 = tpu.memref_slice %arg7[%dma_start3A_44, %dma_start3A_50] : memref<40x128xi32, #tpu.memory_space<vmem>> -> memref<1x128xi32, #tpu.memory_space<vmem>>
        %dma_start3A_52 = tpu.memref_squeeze %dma_start3A_51 : memref<1x128xi32, #tpu.memory_space<vmem>> -> memref<128xi32, #tpu.memory_space<vmem>>
        %dma_start3A_53 = arith.constant 0 : i32
        %dma_start3A_54 = arith.constant 0 : i32
        %dma_start3A_55 = tpu.memref_slice %arg2[%dma_start3A_53, %dma_start3A_54] : memref<10240x128xf32, #tpu.memory_space<hbm>> -> memref<10240x128xf32, #tpu.memory_space<hbm>>
        tpu.enqueue_indirect_dma source(%dma_start3A_55 : memref<10240x128xf32, #tpu.memory_space<hbm>>) target(%dma_start3A_49 : memref<128x128xf32, #tpu.memory_space<vmem>>) offsets(%dma_start3A_52 : memref<128xi32, #tpu.memory_space<vmem>>) semaphore(%arg10 : memref<!tpu.dma_semaphore, #tpu.memory_space<semaphore_mem>>)
      } else {
      }
      %scan3A_39 = arith.constant 0 : i32
      %scan3A_40 = arith.constant 20 : i32
      %scan3A_41 = arith.addi %scan3A_39, %scan3A_40 : i32
      %scan3A_42 = arith.constant 1 : i32
      scf.for %scan3A_44 = %scan3A_39 to %scan3A_41 step %scan3A_42  : i32 {
        %mul3A_45 = arith.constant 2 : i32
        %mul3A_46 = arith.muli %scan3A_44, %mul3A_45 : i32
        %add3A_47 = arith.constant 0 : i32
        %add3A_48 = arith.addi %add3A_47, %mul3A_46 : i32
        %add3A_49 = arith.constant 0 : i32
        %add3A_50 = arith.addi %add3A_48, %add3A_49 : i32
        %add3A_51 = arith.constant 1 : i32
        %add3A_52 = arith.addi %add3A_50, %add3A_51 : i32
        %lt3A_53 = arith.cmpi slt, %add3A_52, %min3A_30 : i32
        %convert_element_type3A_54 = arith.extui %lt3A_53 : i1 to i32
        %cond3A_55 = arith.constant 0 : i32
        %cond3A_56 = arith.cmpi ne, %convert_element_type3A_54, %cond3A_55 : i32
        scf.if %cond3A_56 {
          %add3A_73 = arith.constant 1 : i32
          %add3A_74 = arith.addi %add3A_50, %add3A_73 : i32
          %dma_start3A_75 = arith.constant 1 : i32
          %dma_start3A_76 = arith.constant 0 : i32
          %dma_start3A_77 = arith.constant 0 : i32
          %dma_start3A_78 = tpu.memref_slice %arg9[%dma_start3A_75, %dma_start3A_76, %dma_start3A_77] : memref<2x128x128xf32, #tpu.memory_space<vmem>> -> memref<1x128x128xf32, #tpu.memory_space<vmem>>
          %dma_start3A_79 = tpu.memref_squeeze %dma_start3A_78 : memref<1x128x128xf32, #tpu.memory_space<vmem>> -> memref<128x128xf32, #tpu.memory_space<vmem>>
          %dma_start3A_80 = arith.constant 0 : i32
          %dma_start3A_81 = tpu.memref_slice %arg7[%add3A_74, %dma_start3A_80] : memref<40x128xi32, #tpu.memory_space<vmem>> -> memref<1x128xi32, #tpu.memory_space<vmem>>
          %dma_start3A_82 = tpu.memref_squeeze %dma_start3A_81 : memref<1x128xi32, #tpu.memory_space<vmem>> -> memref<128xi32, #tpu.memory_space<vmem>>
          %dma_start3A_83 = arith.constant 0 : i32
          %dma_start3A_84 = arith.constant 0 : i32
          %dma_start3A_85 = tpu.memref_slice %arg2[%dma_start3A_83, %dma_start3A_84] : memref<10240x128xf32, #tpu.memory_space<hbm>> -> memref<10240x128xf32, #tpu.memory_space<hbm>>
          tpu.enqueue_indirect_dma source(%dma_start3A_85 : memref<10240x128xf32, #tpu.memory_space<hbm>>) target(%dma_start3A_79 : memref<128x128xf32, #tpu.memory_space<vmem>>) offsets(%dma_start3A_82 : memref<128xi32, #tpu.memory_space<vmem>>) semaphore(%arg11 : memref<!tpu.dma_semaphore, #tpu.memory_space<semaphore_mem>>)
        } else {
        }
        %lt3A_57 = arith.cmpi slt, %add3A_50, %min3A_30 : i32
        %convert_element_type3A_58 = arith.extui %lt3A_57 : i1 to i32
        %cond3A_59 = arith.constant 0 : i32
        %cond3A_60 = arith.cmpi ne, %convert_element_type3A_58, %cond3A_59 : i32
        scf.if %cond3A_60 {
          %dma_wait3A_73 = arith.constant 0 : i32
          %dma_wait3A_74 = arith.constant 0 : i32
          %dma_wait3A_75 = arith.constant 0 : i32
          %dma_wait3A_76 = tpu.memref_slice %arg9[%dma_wait3A_73, %dma_wait3A_74, %dma_wait3A_75] : memref<2x128x128xf32, #tpu.memory_space<vmem>> -> memref<1x128x128xf32, #tpu.memory_space<vmem>>
          %dma_wait3A_77 = tpu.memref_squeeze %dma_wait3A_76 : memref<1x128x128xf32, #tpu.memory_space<vmem>> -> memref<128x128xf32, #tpu.memory_space<vmem>>
          %dma_wait3A_78 = arith.constant 0 : i32
          %dma_wait3A_79 = tpu.memref_slice %arg7[%add3A_50, %dma_wait3A_78] : memref<40x128xi32, #tpu.memory_space<vmem>> -> memref<1x128xi32, #tpu.memory_space<vmem>>
          %dma_wait3A_80 = tpu.memref_squeeze %dma_wait3A_79 : memref<1x128xi32, #tpu.memory_space<vmem>> -> memref<128xi32, #tpu.memory_space<vmem>>
          %dma_wait3A_81 = arith.constant 0 : i32
          %dma_wait3A_82 = arith.constant 0 : i32
          %dma_wait3A_83 = tpu.memref_slice %arg2[%dma_wait3A_81, %dma_wait3A_82] : memref<10240x128xf32, #tpu.memory_space<hbm>> -> memref<10240x128xf32, #tpu.memory_space<hbm>>
          tpu.wait_indirect_dma semaphore(%arg10 : memref<!tpu.dma_semaphore, #tpu.memory_space<semaphore_mem>>) src(%dma_wait3A_83 : memref<10240x128xf32, #tpu.memory_space<hbm>>) dst(%dma_wait3A_77 : memref<128x128xf32, #tpu.memory_space<vmem>>)
          %run_scoped3A = arith.constant 0 : i32
          "tpu.region"() ({
            %run_scoped3A_84 = tpu.sem_alloc : memref<!tpu.dma_semaphore, #tpu.memory_space<semaphore_mem>>
            %dma_start3A_85 = arith.constant 0 : i32
            %dma_start3A_86 = arith.constant 0 : i32
            %dma_start3A_87 = tpu.memref_slice %arg9[%run_scoped3A, %dma_start3A_85, %dma_start3A_86] : memref<2x128x128xf32, #tpu.memory_space<vmem>> -> memref<1x128x128xf32, #tpu.memory_space<vmem>>
            %dma_start3A_88 = tpu.memref_squeeze %dma_start3A_87 : memref<1x128x128xf32, #tpu.memory_space<vmem>> -> memref<128x128xf32, #tpu.memory_space<vmem>>
            %dma_start3A_89 = arith.constant 0 : i32
            %dma_start3A_90 = tpu.memref_slice %arg8[%add3A_50, %dma_start3A_89] : memref<40x128xi32, #tpu.memory_space<vmem>> -> memref<1x128xi32, #tpu.memory_space<vmem>>
            %dma_start3A_91 = tpu.memref_squeeze %dma_start3A_90 : memref<1x128xi32, #tpu.memory_space<vmem>> -> memref<128xi32, #tpu.memory_space<vmem>>
            %dma_start3A_92 = arith.constant 0 : i32
            %dma_start3A_93 = arith.constant 0 : i32
            %dma_start3A_94 = tpu.memref_slice %arg6[%dma_start3A_92, %dma_start3A_93] : memref<10240x128xf32, #tpu.memory_space<vmem_shared>> -> memref<10240x128xf32, #tpu.memory_space<vmem_shared>>
            tpu.enqueue_indirect_dma source(%dma_start3A_88 : memref<128x128xf32, #tpu.memory_space<vmem>>) target(%dma_start3A_94 : memref<10240x128xf32, #tpu.memory_space<vmem_shared>>) offsets(%dma_start3A_91 : memref<128xi32, #tpu.memory_space<vmem>>) semaphore(%run_scoped3A_84 : memref<!tpu.dma_semaphore, #tpu.memory_space<semaphore_mem>>) {add = true}
            %dma_wait3A_95 = arith.constant 0 : i32
            %dma_wait3A_96 = arith.constant 0 : i32
            %dma_wait3A_97 = tpu.memref_slice %arg9[%run_scoped3A, %dma_wait3A_95, %dma_wait3A_96] : memref<2x128x128xf32, #tpu.memory_space<vmem>> -> memref<1x128x128xf32, #tpu.memory_space<vmem>>
            %dma_wait3A_98 = tpu.memref_squeeze %dma_wait3A_97 : memref<1x128x128xf32, #tpu.memory_space<vmem>> -> memref<128x128xf32, #tpu.memory_space<vmem>>
            %dma_wait3A_99 = arith.constant 0 : i32
            %dma_wait3A_100 = tpu.memref_slice %arg8[%add3A_50, %dma_wait3A_99] : memref<40x128xi32, #tpu.memory_space<vmem>> -> memref<1x128xi32, #tpu.memory_space<vmem>>
            %dma_wait3A_101 = tpu.memref_squeeze %dma_wait3A_100 : memref<1x128xi32, #tpu.memory_space<vmem>> -> memref<128xi32, #tpu.memory_space<vmem>>
            %dma_wait3A_102 = arith.constant 0 : i32
            %dma_wait3A_103 = arith.constant 0 : i32
            %dma_wait3A_104 = tpu.memref_slice %arg6[%dma_wait3A_102, %dma_wait3A_103] : memref<10240x128xf32, #tpu.memory_space<vmem_shared>> -> memref<10240x128xf32, #tpu.memory_space<vmem_shared>>
            tpu.wait_indirect_dma semaphore(%run_scoped3A_84 : memref<!tpu.dma_semaphore, #tpu.memory_space<semaphore_mem>>) src(%dma_wait3A_98 : memref<128x128xf32, #tpu.memory_space<vmem>>) dst(%dma_wait3A_104 : memref<10240x128xf32, #tpu.memory_space<vmem_shared>>)
            tpu.yield
          }) : () -> ()
        } else {
        }
        %add3A_61 = arith.constant 1 : i32
        %add3A_62 = arith.addi %add3A_48, %add3A_61 : i32
        %add3A_63 = arith.constant 1 : i32
        %add3A_64 = arith.addi %add3A_62, %add3A_63 : i32
        %lt3A_65 = arith.cmpi slt, %add3A_64, %min3A_30 : i32
        %convert_element_type3A_66 = arith.extui %lt3A_65 : i1 to i32
        %cond3A_67 = arith.constant 0 : i32
        %cond3A_68 = arith.cmpi ne, %convert_element_type3A_66, %cond3A_67 : i32
        scf.if %cond3A_68 {
          %add3A_73 = arith.constant 1 : i32
          %add3A_74 = arith.addi %add3A_62, %add3A_73 : i32
          %dma_start3A_75 = arith.constant 0 : i32
          %dma_start3A_76 = arith.constant 0 : i32
          %dma_start3A_77 = arith.constant 0 : i32
          %dma_start3A_78 = tpu.memref_slice %arg9[%dma_start3A_75, %dma_start3A_76, %dma_start3A_77] : memref<2x128x128xf32, #tpu.memory_space<vmem>> -> memref<1x128x128xf32, #tpu.memory_space<vmem>>
          %dma_start3A_79 = tpu.memref_squeeze %dma_start3A_78 : memref<1x128x128xf32, #tpu.memory_space<vmem>> -> memref<128x128xf32, #tpu.memory_space<vmem>>
          %dma_start3A_80 = arith.constant 0 : i32
          %dma_start3A_81 = tpu.memref_slice %arg7[%add3A_74, %dma_start3A_80] : memref<40x128xi32, #tpu.memory_space<vmem>> -> memref<1x128xi32, #tpu.memory_space<vmem>>
          %dma_start3A_82 = tpu.memref_squeeze %dma_start3A_81 : memref<1x128xi32, #tpu.memory_space<vmem>> -> memref<128xi32, #tpu.memory_space<vmem>>
          %dma_start3A_83 = arith.constant 0 : i32
          %dma_start3A_84 = arith.constant 0 : i32
          %dma_start3A_85 = tpu.memref_slice %arg2[%dma_start3A_83, %dma_start3A_84] : memref<10240x128xf32, #tpu.memory_space<hbm>> -> memref<10240x128xf32, #tpu.memory_space<hbm>>
          tpu.enqueue_indirect_dma source(%dma_start3A_85 : memref<10240x128xf32, #tpu.memory_space<hbm>>) target(%dma_start3A_79 : memref<128x128xf32, #tpu.memory_space<vmem>>) offsets(%dma_start3A_82 : memref<128xi32, #tpu.memory_space<vmem>>) semaphore(%arg10 : memref<!tpu.dma_semaphore, #tpu.memory_space<semaphore_mem>>)
        } else {
        }
        %lt3A_69 = arith.cmpi slt, %add3A_62, %min3A_30 : i32
        %convert_element_type3A_70 = arith.extui %lt3A_69 : i1 to i32
        %cond3A_71 = arith.constant 0 : i32
        %cond3A_72 = arith.cmpi ne, %convert_element_type3A_70, %cond3A_71 : i32
        scf.if %cond3A_72 {
          %dma_wait3A_73 = arith.constant 1 : i32
          %dma_wait3A_74 = arith.constant 0 : i32
          %dma_wait3A_75 = arith.constant 0 : i32
          %dma_wait3A_76 = tpu.memref_slice %arg9[%dma_wait3A_73, %dma_wait3A_74, %dma_wait3A_75] : memref<2x128x128xf32, #tpu.memory_space<vmem>> -> memref<1x128x128xf32, #tpu.memory_space<vmem>>
          %dma_wait3A_77 = tpu.memref_squeeze %dma_wait3A_76 : memref<1x128x128xf32, #tpu.memory_space<vmem>> -> memref<128x128xf32, #tpu.memory_space<vmem>>
          %dma_wait3A_78 = arith.constant 0 : i32
          %dma_wait3A_79 = tpu.memref_slice %arg7[%add3A_62, %dma_wait3A_78] : memref<40x128xi32, #tpu.memory_space<vmem>> -> memref<1x128xi32, #tpu.memory_space<vmem>>
          %dma_wait3A_80 = tpu.memref_squeeze %dma_wait3A_79 : memref<1x128xi32, #tpu.memory_space<vmem>> -> memref<128xi32, #tpu.memory_space<vmem>>
          %dma_wait3A_81 = arith.constant 0 : i32
          %dma_wait3A_82 = arith.constant 0 : i32
          %dma_wait3A_83 = tpu.memref_slice %arg2[%dma_wait3A_81, %dma_wait3A_82] : memref<10240x128xf32, #tpu.memory_space<hbm>> -> memref<10240x128xf32, #tpu.memory_space<hbm>>
          tpu.wait_indirect_dma semaphore(%arg11 : memref<!tpu.dma_semaphore, #tpu.memory_space<semaphore_mem>>) src(%dma_wait3A_83 : memref<10240x128xf32, #tpu.memory_space<hbm>>) dst(%dma_wait3A_77 : memref<128x128xf32, #tpu.memory_space<vmem>>)
          %run_scoped3A = arith.constant 1 : i32
          "tpu.region"() ({
            %run_scoped3A_84 = tpu.sem_alloc : memref<!tpu.dma_semaphore, #tpu.memory_space<semaphore_mem>>
            %dma_start3A_85 = arith.constant 0 : i32
            %dma_start3A_86 = arith.constant 0 : i32
            %dma_start3A_87 = tpu.memref_slice %arg9[%run_scoped3A, %dma_start3A_85, %dma_start3A_86] : memref<2x128x128xf32, #tpu.memory_space<vmem>> -> memref<1x128x128xf32, #tpu.memory_space<vmem>>
            %dma_start3A_88 = tpu.memref_squeeze %dma_start3A_87 : memref<1x128x128xf32, #tpu.memory_space<vmem>> -> memref<128x128xf32, #tpu.memory_space<vmem>>
            %dma_start3A_89 = arith.constant 0 : i32
            %dma_start3A_90 = tpu.memref_slice %arg8[%add3A_62, %dma_start3A_89] : memref<40x128xi32, #tpu.memory_space<vmem>> -> memref<1x128xi32, #tpu.memory_space<vmem>>
            %dma_start3A_91 = tpu.memref_squeeze %dma_start3A_90 : memref<1x128xi32, #tpu.memory_space<vmem>> -> memref<128xi32, #tpu.memory_space<vmem>>
            %dma_start3A_92 = arith.constant 0 : i32
            %dma_start3A_93 = arith.constant 0 : i32
            %dma_start3A_94 = tpu.memref_slice %arg6[%dma_start3A_92, %dma_start3A_93] : memref<10240x128xf32, #tpu.memory_space<vmem_shared>> -> memref<10240x128xf32, #tpu.memory_space<vmem_shared>>
            tpu.enqueue_indirect_dma source(%dma_start3A_88 : memref<128x128xf32, #tpu.memory_space<vmem>>) target(%dma_start3A_94 : memref<10240x128xf32, #tpu.memory_space<vmem_shared>>) offsets(%dma_start3A_91 : memref<128xi32, #tpu.memory_space<vmem>>) semaphore(%run_scoped3A_84 : memref<!tpu.dma_semaphore, #tpu.memory_space<semaphore_mem>>) {add = true}
            %dma_wait3A_95 = arith.constant 0 : i32
            %dma_wait3A_96 = arith.constant 0 : i32
            %dma_wait3A_97 = tpu.memref_slice %arg9[%run_scoped3A, %dma_wait3A_95, %dma_wait3A_96] : memref<2x128x128xf32, #tpu.memory_space<vmem>> -> memref<1x128x128xf32, #tpu.memory_space<vmem>>
            %dma_wait3A_98 = tpu.memref_squeeze %dma_wait3A_97 : memref<1x128x128xf32, #tpu.memory_space<vmem>> -> memref<128x128xf32, #tpu.memory_space<vmem>>
            %dma_wait3A_99 = arith.constant 0 : i32
            %dma_wait3A_100 = tpu.memref_slice %arg8[%add3A_62, %dma_wait3A_99] : memref<40x128xi32, #tpu.memory_space<vmem>> -> memref<1x128xi32, #tpu.memory_space<vmem>>
            %dma_wait3A_101 = tpu.memref_squeeze %dma_wait3A_100 : memref<1x128xi32, #tpu.memory_space<vmem>> -> memref<128xi32, #tpu.memory_space<vmem>>
            %dma_wait3A_102 = arith.constant 0 : i32
            %dma_wait3A_103 = arith.constant 0 : i32
            %dma_wait3A_104 = tpu.memref_slice %arg6[%dma_wait3A_102, %dma_wait3A_103] : memref<10240x128xf32, #tpu.memory_space<vmem_shared>> -> memref<10240x128xf32, #tpu.memory_space<vmem_shared>>
            tpu.wait_indirect_dma semaphore(%run_scoped3A_84 : memref<!tpu.dma_semaphore, #tpu.memory_space<semaphore_mem>>) src(%dma_wait3A_98 : memref<128x128xf32, #tpu.memory_space<vmem>>) dst(%dma_wait3A_104 : memref<10240x128xf32, #tpu.memory_space<vmem_shared>>)
            tpu.yield
          }) : () -> ()
        } else {
        }
      }
      %scan3A_43 = arith.constant 20 : i32
    }
    %scan3A_17 = arith.constant 2 : i32
    %barrier3A_18 = arith.constant 0 : index
    tpu.barrier barrier_id(%barrier3A_18)
    %mul3A_19 = arith.constant 640 : i32
    %mul3A_20 = arith.muli %arg1, %mul3A_19 : i32
    %mul3A_21 = arith.constant 640 : i32
    %mul3A_22 = arith.muli %arg1, %mul3A_21 : i32
    "tpu.region"() ({
      %run_scoped3A = tpu.sem_alloc : memref<!tpu.dma_semaphore, #tpu.memory_space<semaphore_mem>>
      %dma_start3A_23 = arith.constant 0 : i32
      %dma_start3A_24 = tpu.memref_slice %arg5[%arg0, %mul3A_22, %dma_start3A_23] : memref<2x10240x128xf32, #tpu.memory_space<hbm>> -> memref<1x640x128xf32, #tpu.memory_space<hbm>>
      %dma_start3A_25 = tpu.memref_squeeze %dma_start3A_24 : memref<1x640x128xf32, #tpu.memory_space<hbm>> -> memref<640x128xf32, #tpu.memory_space<hbm>>
      %dma_start3A_26 = arith.constant 0 : i32
      %dma_start3A_27 = tpu.memref_slice %arg6[%mul3A_20, %dma_start3A_26] : memref<10240x128xf32, #tpu.memory_space<vmem_shared>> -> memref<640x128xf32, #tpu.memory_space<vmem_shared>>
      tpu.enqueue_dma source(%dma_start3A_27 : memref<640x128xf32, #tpu.memory_space<vmem_shared>>) target(%dma_start3A_25 : memref<640x128xf32, #tpu.memory_space<hbm>>) target_semaphore(%run_scoped3A : memref<!tpu.dma_semaphore, #tpu.memory_space<semaphore_mem>>)
      %dma_wait3A_28 = arith.constant 0 : i32
      %dma_wait3A_29 = tpu.memref_slice %arg5[%arg0, %mul3A_22, %dma_wait3A_28] : memref<2x10240x128xf32, #tpu.memory_space<hbm>> -> memref<1x640x128xf32, #tpu.memory_space<hbm>>
      %dma_wait3A_30 = tpu.memref_squeeze %dma_wait3A_29 : memref<1x640x128xf32, #tpu.memory_space<hbm>> -> memref<640x128xf32, #tpu.memory_space<hbm>>
      %dma_wait3A_31 = arith.constant 0 : i32
      %dma_wait3A_32 = tpu.memref_slice %arg6[%mul3A_20, %dma_wait3A_31] : memref<10240x128xf32, #tpu.memory_space<vmem_shared>> -> memref<640x128xf32, #tpu.memory_space<vmem_shared>>
      tpu.wait_dma2 semaphore(%run_scoped3A : memref<!tpu.dma_semaphore, #tpu.memory_space<semaphore_mem>>) src(%dma_wait3A_32 : memref<640x128xf32, #tpu.memory_space<vmem_shared>>) dst(%dma_wait3A_30 : memref<640x128xf32, #tpu.memory_space<hbm>>)
      tpu.yield
    }) : () -> ()
    return
  }
}

#map = affine_map<(d0, d1) -> (0, 0)>
#map1 = affine_map<(d0, d1) -> (0, 0, 0)>
module attributes {stable_mosaic.version = 14 : i64} {
  func.func @_agg_body(%arg0: i32, %arg1: i32, %arg2: memref<10240x128xf32, #tpu.memory_space<hbm>>, %arg3: memref<32x80x128xi32, #tpu.memory_space<hbm>>, %arg4: memref<32x80x128xi32, #tpu.memory_space<hbm>>, %arg5: memref<2x10240x128xf32, #tpu.memory_space<hbm>>, %arg6: memref<10240x128xf32, #tpu.memory_space<vmem_shared>>, %arg7: memref<40x128xi32, #tpu.memory_space<vmem>>, %arg8: memref<40x128xi32, #tpu.memory_space<vmem>>, %arg9: memref<2x128x128xf32, #tpu.memory_space<vmem>>, %arg10: memref<!tpu.dma_semaphore, #tpu.memory_space<semaphore_mem>>, %arg11: memref<!tpu.dma_semaphore, #tpu.memory_space<semaphore_mem>>, %arg12: memref<!tpu.dma_semaphore, #tpu.memory_space<semaphore_mem>>) attributes {dimension_semantics = [#tpu.dimension_semantics<core_parallel>, #tpu.dimension_semantics<subcore_parallel>], iteration_bounds = array<i64: 2, 16>, scalar_prefetch = 0 : i64, scratch_operands = 7 : i64, tpu.core_type = #tpu.core_type<sc_vector_subcore>, window_params = [{transform_indices = #map}, {transform_indices = #map1}, {transform_indices = #map1}, {transform_indices = #map1}]} {
    %mul3A = arith.constant 16 : i32
    %mul3A_0 = arith.muli %arg0, %mul3A : i32
    %add3A = arith.addi %mul3A_0, %arg1 : i32
    %lt3A = arith.constant 4 : i32
    %lt3A_1 = arith.cmpi slt, %add3A, %lt3A : i32
    %convert_element_type3A = arith.extui %lt3A_1 : i1 to i32
    %add3A_2 = arith.constant 78 : i32
    %add3A_3 = arith.addi %add3A_2, %convert_element_type3A : i32
    %mul3A_4 = arith.constant 640 : i32
    %mul3A_5 = arith.muli %arg1, %mul3A_4 : i32
    %mul3A_6 = arith.constant 640 : i32
    %mul3A_7 = arith.muli %arg1, %mul3A_6 : i32
    %dma_start3A = arith.constant 0 : i32
    %dma_start3A_8 = tpu.memref_slice %arg6[%mul3A_7, %dma_start3A] : memref<10240x128xf32, #tpu.memory_space<vmem_shared>> -> memref<640x128xf32, #tpu.memory_space<vmem_shared>>
    %dma_start3A_9 = arith.constant 0 : i32
    %dma_start3A_10 = tpu.memref_slice %arg2[%mul3A_5, %dma_start3A_9] : memref<10240x128xf32, #tpu.memory_space<hbm>> -> memref<640x128xf32, #tpu.memory_space<hbm>>
    tpu.enqueue_dma source(%dma_start3A_10 : memref<640x128xf32, #tpu.memory_space<hbm>>) target(%dma_start3A_8 : memref<640x128xf32, #tpu.memory_space<vmem_shared>>) target_semaphore(%arg12 : memref<!tpu.dma_semaphore, #tpu.memory_space<semaphore_mem>>)
    "tpu.region"() ({
      %run_scoped3A = tpu.sem_alloc : memref<!tpu.dma_semaphore, #tpu.memory_space<semaphore_mem>>
      %dma_start3A_23 = arith.constant 0 : i32
      %dma_start3A_24 = arith.constant 0 : i32
      %dma_start3A_25 = tpu.memref_slice %arg3[%add3A, %dma_start3A_23, %dma_start3A_24] : memref<32x80x128xi32, #tpu.memory_space<hbm>> -> memref<1x40x128xi32, #tpu.memory_space<hbm>>
      %dma_start3A_26 = tpu.memref_squeeze %dma_start3A_25 : memref<1x40x128xi32, #tpu.memory_space<hbm>> -> memref<40x128xi32, #tpu.memory_space<hbm>>
      %dma_start3A_27 = arith.constant 0 : i32
      %dma_start3A_28 = arith.constant 0 : i32
      %dma_start3A_29 = tpu.memref_slice %arg3[%add3A, %dma_start3A_27, %dma_start3A_28] : memref<32x80x128xi32, #tpu.memory_space<hbm>> -> memref<1x40x128xi32, #tpu.memory_space<hbm>>
      %dma_start3A_30 = tpu.memref_squeeze %dma_start3A_29 : memref<1x40x128xi32, #tpu.memory_space<hbm>> -> memref<40x128xi32, #tpu.memory_space<hbm>>
      tpu.enqueue_dma source(%dma_start3A_30 : memref<40x128xi32, #tpu.memory_space<hbm>>) target(%arg7 : memref<40x128xi32, #tpu.memory_space<vmem>>) target_semaphore(%run_scoped3A : memref<!tpu.dma_semaphore, #tpu.memory_space<semaphore_mem>>)
      %dma_wait3A_31 = arith.constant 0 : i32
      %dma_wait3A_32 = arith.constant 0 : i32
      %dma_wait3A_33 = tpu.memref_slice %arg3[%add3A, %dma_wait3A_31, %dma_wait3A_32] : memref<32x80x128xi32, #tpu.memory_space<hbm>> -> memref<1x40x128xi32, #tpu.memory_space<hbm>>
      %dma_wait3A_34 = tpu.memref_squeeze %dma_wait3A_33 : memref<1x40x128xi32, #tpu.memory_space<hbm>> -> memref<40x128xi32, #tpu.memory_space<hbm>>
      %dma_wait3A_35 = arith.constant 0 : i32
      %dma_wait3A_36 = arith.constant 0 : i32
      %dma_wait3A_37 = tpu.memref_slice %arg3[%add3A, %dma_wait3A_35, %dma_wait3A_36] : memref<32x80x128xi32, #tpu.memory_space<hbm>> -> memref<1x40x128xi32, #tpu.memory_space<hbm>>
      %dma_wait3A_38 = tpu.memref_squeeze %dma_wait3A_37 : memref<1x40x128xi32, #tpu.memory_space<hbm>> -> memref<40x128xi32, #tpu.memory_space<hbm>>
      tpu.wait_dma2 semaphore(%run_scoped3A : memref<!tpu.dma_semaphore, #tpu.memory_space<semaphore_mem>>) src(%dma_wait3A_38 : memref<40x128xi32, #tpu.memory_space<hbm>>) dst(%arg7 : memref<40x128xi32, #tpu.memory_space<vmem>>)
      tpu.yield
    }) : () -> ()
    "tpu.region"() ({
      %run_scoped3A = tpu.sem_alloc : memref<!tpu.dma_semaphore, #tpu.memory_space<semaphore_mem>>
      %dma_start3A_23 = arith.constant 0 : i32
      %dma_start3A_24 = arith.constant 0 : i32
      %dma_start3A_25 = tpu.memref_slice %arg4[%add3A, %dma_start3A_23, %dma_start3A_24] : memref<32x80x128xi32, #tpu.memory_space<hbm>> -> memref<1x40x128xi32, #tpu.memory_space<hbm>>
      %dma_start3A_26 = tpu.memref_squeeze %dma_start3A_25 : memref<1x40x128xi32, #tpu.memory_space<hbm>> -> memref<40x128xi32, #tpu.memory_space<hbm>>
      %dma_start3A_27 = arith.constant 0 : i32
      %dma_start3A_28 = arith.constant 0 : i32
      %dma_start3A_29 = tpu.memref_slice %arg4[%add3A, %dma_start3A_27, %dma_start3A_28] : memref<32x80x128xi32, #tpu.memory_space<hbm>> -> memref<1x40x128xi32, #tpu.memory_space<hbm>>
      %dma_start3A_30 = tpu.memref_squeeze %dma_start3A_29 : memref<1x40x128xi32, #tpu.memory_space<hbm>> -> memref<40x128xi32, #tpu.memory_space<hbm>>
      tpu.enqueue_dma source(%dma_start3A_30 : memref<40x128xi32, #tpu.memory_space<hbm>>) target(%arg8 : memref<40x128xi32, #tpu.memory_space<vmem>>) target_semaphore(%run_scoped3A : memref<!tpu.dma_semaphore, #tpu.memory_space<semaphore_mem>>)
      %dma_wait3A_31 = arith.constant 0 : i32
      %dma_wait3A_32 = arith.constant 0 : i32
      %dma_wait3A_33 = tpu.memref_slice %arg4[%add3A, %dma_wait3A_31, %dma_wait3A_32] : memref<32x80x128xi32, #tpu.memory_space<hbm>> -> memref<1x40x128xi32, #tpu.memory_space<hbm>>
      %dma_wait3A_34 = tpu.memref_squeeze %dma_wait3A_33 : memref<1x40x128xi32, #tpu.memory_space<hbm>> -> memref<40x128xi32, #tpu.memory_space<hbm>>
      %dma_wait3A_35 = arith.constant 0 : i32
      %dma_wait3A_36 = arith.constant 0 : i32
      %dma_wait3A_37 = tpu.memref_slice %arg4[%add3A, %dma_wait3A_35, %dma_wait3A_36] : memref<32x80x128xi32, #tpu.memory_space<hbm>> -> memref<1x40x128xi32, #tpu.memory_space<hbm>>
      %dma_wait3A_38 = tpu.memref_squeeze %dma_wait3A_37 : memref<1x40x128xi32, #tpu.memory_space<hbm>> -> memref<40x128xi32, #tpu.memory_space<hbm>>
      tpu.wait_dma2 semaphore(%run_scoped3A : memref<!tpu.dma_semaphore, #tpu.memory_space<semaphore_mem>>) src(%dma_wait3A_38 : memref<40x128xi32, #tpu.memory_space<hbm>>) dst(%arg8 : memref<40x128xi32, #tpu.memory_space<vmem>>)
      tpu.yield
    }) : () -> ()
    %dma_wait3A = arith.constant 0 : i32
    %dma_wait3A_11 = tpu.memref_slice %arg6[%mul3A_7, %dma_wait3A] : memref<10240x128xf32, #tpu.memory_space<vmem_shared>> -> memref<640x128xf32, #tpu.memory_space<vmem_shared>>
    %dma_wait3A_12 = arith.constant 0 : i32
    %dma_wait3A_13 = tpu.memref_slice %arg2[%mul3A_5, %dma_wait3A_12] : memref<10240x128xf32, #tpu.memory_space<hbm>> -> memref<640x128xf32, #tpu.memory_space<hbm>>
    tpu.wait_dma2 semaphore(%arg12 : memref<!tpu.dma_semaphore, #tpu.memory_space<semaphore_mem>>) src(%dma_wait3A_13 : memref<640x128xf32, #tpu.memory_space<hbm>>) dst(%dma_wait3A_11 : memref<640x128xf32, #tpu.memory_space<vmem_shared>>)
    %barrier3A = arith.constant 0 : index
    tpu.barrier barrier_id(%barrier3A)
    %scan3A = arith.constant 0 : i32
    %scan3A_14 = arith.constant 2 : i32
    %scan3A_15 = arith.addi %scan3A, %scan3A_14 : i32
    %scan3A_16 = arith.constant 1 : i32
    scf.for %scan3A_23 = %scan3A to %scan3A_15 step %scan3A_16  : i32 {
      %mul3A_24 = arith.constant 1 : i32
      %mul3A_25 = arith.muli %scan3A_23, %mul3A_24 : i32
      %add3A_26 = arith.constant 0 : i32
      %add3A_27 = arith.addi %add3A_26, %mul3A_25 : i32
      %mul3A_28 = arith.constant 40 : i32
      %mul3A_29 = arith.muli %add3A_27, %mul3A_28 : i32
      %sub3A = arith.subi %add3A_3, %mul3A_29 : i32
      %min3A = arith.constant 40 : i32
      %min3A_30 = arith.minsi %sub3A, %min3A : i32
      %gt3A = arith.constant 0 : i32
      %gt3A_31 = arith.cmpi sgt, %add3A_27, %gt3A : i32
      %convert_element_type3A_32 = arith.extui %gt3A_31 : i1 to i32
      %cond3A = arith.constant 0 : i32
      %cond3A_33 = arith.cmpi ne, %convert_element_type3A_32, %cond3A : i32
      scf.if %cond3A_33 {
        %mul3A_44 = arith.constant 40 : i32
        %mul3A_45 = arith.muli %add3A_27, %mul3A_44 : i32
        "tpu.region"() ({
          %run_scoped3A = tpu.sem_alloc : memref<!tpu.dma_semaphore, #tpu.memory_space<semaphore_mem>>
          %dma_start3A_48 = arith.constant 0 : i32
          %dma_start3A_49 = tpu.memref_slice %arg3[%add3A, %mul3A_45, %dma_start3A_48] : memref<32x80x128xi32, #tpu.memory_space<hbm>> -> memref<1x40x128xi32, #tpu.memory_space<hbm>>
          %dma_start3A_50 = tpu.memref_squeeze %dma_start3A_49 : memref<1x40x128xi32, #tpu.memory_space<hbm>> -> memref<40x128xi32, #tpu.memory_space<hbm>>
          %dma_start3A_51 = arith.constant 0 : i32
          %dma_start3A_52 = tpu.memref_slice %arg3[%add3A, %mul3A_45, %dma_start3A_51] : memref<32x80x128xi32, #tpu.memory_space<hbm>> -> memref<1x40x128xi32, #tpu.memory_space<hbm>>
          %dma_start3A_53 = tpu.memref_squeeze %dma_start3A_52 : memref<1x40x128xi32, #tpu.memory_space<hbm>> -> memref<40x128xi32, #tpu.memory_space<hbm>>
          tpu.enqueue_dma source(%dma_start3A_53 : memref<40x128xi32, #tpu.memory_space<hbm>>) target(%arg7 : memref<40x128xi32, #tpu.memory_space<vmem>>) target_semaphore(%run_scoped3A : memref<!tpu.dma_semaphore, #tpu.memory_space<semaphore_mem>>)
          %dma_wait3A_54 = arith.constant 0 : i32
          %dma_wait3A_55 = tpu.memref_slice %arg3[%add3A, %mul3A_45, %dma_wait3A_54] : memref<32x80x128xi32, #tpu.memory_space<hbm>> -> memref<1x40x128xi32, #tpu.memory_space<hbm>>
          %dma_wait3A_56 = tpu.memref_squeeze %dma_wait3A_55 : memref<1x40x128xi32, #tpu.memory_space<hbm>> -> memref<40x128xi32, #tpu.memory_space<hbm>>
          %dma_wait3A_57 = arith.constant 0 : i32
          %dma_wait3A_58 = tpu.memref_slice %arg3[%add3A, %mul3A_45, %dma_wait3A_57] : memref<32x80x128xi32, #tpu.memory_space<hbm>> -> memref<1x40x128xi32, #tpu.memory_space<hbm>>
          %dma_wait3A_59 = tpu.memref_squeeze %dma_wait3A_58 : memref<1x40x128xi32, #tpu.memory_space<hbm>> -> memref<40x128xi32, #tpu.memory_space<hbm>>
          tpu.wait_dma2 semaphore(%run_scoped3A : memref<!tpu.dma_semaphore, #tpu.memory_space<semaphore_mem>>) src(%dma_wait3A_59 : memref<40x128xi32, #tpu.memory_space<hbm>>) dst(%arg7 : memref<40x128xi32, #tpu.memory_space<vmem>>)
          tpu.yield
        }) : () -> ()
        %mul3A_46 = arith.constant 40 : i32
        %mul3A_47 = arith.muli %add3A_27, %mul3A_46 : i32
        "tpu.region"() ({
          %run_scoped3A = tpu.sem_alloc : memref<!tpu.dma_semaphore, #tpu.memory_space<semaphore_mem>>
          %dma_start3A_48 = arith.constant 0 : i32
          %dma_start3A_49 = tpu.memref_slice %arg4[%add3A, %mul3A_47, %dma_start3A_48] : memref<32x80x128xi32, #tpu.memory_space<hbm>> -> memref<1x40x128xi32, #tpu.memory_space<hbm>>
          %dma_start3A_50 = tpu.memref_squeeze %dma_start3A_49 : memref<1x40x128xi32, #tpu.memory_space<hbm>> -> memref<40x128xi32, #tpu.memory_space<hbm>>
          %dma_start3A_51 = arith.constant 0 : i32
          %dma_start3A_52 = tpu.memref_slice %arg4[%add3A, %mul3A_47, %dma_start3A_51] : memref<32x80x128xi32, #tpu.memory_space<hbm>> -> memref<1x40x128xi32, #tpu.memory_space<hbm>>
          %dma_start3A_53 = tpu.memref_squeeze %dma_start3A_52 : memref<1x40x128xi32, #tpu.memory_space<hbm>> -> memref<40x128xi32, #tpu.memory_space<hbm>>
          tpu.enqueue_dma source(%dma_start3A_53 : memref<40x128xi32, #tpu.memory_space<hbm>>) target(%arg8 : memref<40x128xi32, #tpu.memory_space<vmem>>) target_semaphore(%run_scoped3A : memref<!tpu.dma_semaphore, #tpu.memory_space<semaphore_mem>>)
          %dma_wait3A_54 = arith.constant 0 : i32
          %dma_wait3A_55 = tpu.memref_slice %arg4[%add3A, %mul3A_47, %dma_wait3A_54] : memref<32x80x128xi32, #tpu.memory_space<hbm>> -> memref<1x40x128xi32, #tpu.memory_space<hbm>>
          %dma_wait3A_56 = tpu.memref_squeeze %dma_wait3A_55 : memref<1x40x128xi32, #tpu.memory_space<hbm>> -> memref<40x128xi32, #tpu.memory_space<hbm>>
          %dma_wait3A_57 = arith.constant 0 : i32
          %dma_wait3A_58 = tpu.memref_slice %arg4[%add3A, %mul3A_47, %dma_wait3A_57] : memref<32x80x128xi32, #tpu.memory_space<hbm>> -> memref<1x40x128xi32, #tpu.memory_space<hbm>>
          %dma_wait3A_59 = tpu.memref_squeeze %dma_wait3A_58 : memref<1x40x128xi32, #tpu.memory_space<hbm>> -> memref<40x128xi32, #tpu.memory_space<hbm>>
          tpu.wait_dma2 semaphore(%run_scoped3A : memref<!tpu.dma_semaphore, #tpu.memory_space<semaphore_mem>>) src(%dma_wait3A_59 : memref<40x128xi32, #tpu.memory_space<hbm>>) dst(%arg8 : memref<40x128xi32, #tpu.memory_space<vmem>>)
          tpu.yield
        }) : () -> ()
      } else {
      }
      %gt3A_34 = arith.constant 0 : i32
      %gt3A_35 = arith.cmpi sgt, %min3A_30, %gt3A_34 : i32
      %convert_element_type3A_36 = arith.extui %gt3A_35 : i1 to i32
      %cond3A_37 = arith.constant 0 : i32
      %cond3A_38 = arith.cmpi ne, %convert_element_type3A_36, %cond3A_37 : i32
      scf.if %cond3A_38 {
        %dma_start3A_44 = arith.constant 0 : i32
        %dma_start3A_45 = arith.constant 0 : i32
        %dma_start3A_46 = arith.constant 0 : i32
        %dma_start3A_47 = arith.constant 0 : i32
        %dma_start3A_48 = tpu.memref_slice %arg9[%dma_start3A_45, %dma_start3A_46, %dma_start3A_47] : memref<2x128x128xf32, #tpu.memory_space<vmem>> -> memref<1x128x128xf32, #tpu.memory_space<vmem>>
        %dma_start3A_49 = tpu.memref_squeeze %dma_start3A_48 : memref<1x128x128xf32, #tpu.memory_space<vmem>> -> memref<128x128xf32, #tpu.memory_space<vmem>>
        %dma_start3A_50 = arith.constant 0 : i32
        %dma_start3A_51 = tpu.memref_slice %arg7[%dma_start3A_44, %dma_start3A_50] : memref<40x128xi32, #tpu.memory_space<vmem>> -> memref<1x128xi32, #tpu.memory_space<vmem>>
        %dma_start3A_52 = tpu.memref_squeeze %dma_start3A_51 : memref<1x128xi32, #tpu.memory_space<vmem>> -> memref<128xi32, #tpu.memory_space<vmem>>
        %dma_start3A_53 = arith.constant 0 : i32
        %dma_start3A_54 = arith.constant 0 : i32
        %dma_start3A_55 = tpu.memref_slice %arg2[%dma_start3A_53, %dma_start3A_54] : memref<10240x128xf32, #tpu.memory_space<hbm>> -> memref<10240x128xf32, #tpu.memory_space<hbm>>
        tpu.enqueue_indirect_dma source(%dma_start3A_55 : memref<10240x128xf32, #tpu.memory_space<hbm>>) target(%dma_start3A_49 : memref<128x128xf32, #tpu.memory_space<vmem>>) offsets(%dma_start3A_52 : memref<128xi32, #tpu.memory_space<vmem>>) semaphore(%arg10 : memref<!tpu.dma_semaphore, #tpu.memory_space<semaphore_mem>>)
      } else {
      }
      %scan3A_39 = arith.constant 0 : i32
      %scan3A_40 = arith.constant 20 : i32
      %scan3A_41 = arith.addi %scan3A_39, %scan3A_40 : i32
      %scan3A_42 = arith.constant 1 : i32
      scf.for %scan3A_44 = %scan3A_39 to %scan3A_41 step %scan3A_42  : i32 {
        %mul3A_45 = arith.constant 2 : i32
        %mul3A_46 = arith.muli %scan3A_44, %mul3A_45 : i32
        %add3A_47 = arith.constant 0 : i32
        %add3A_48 = arith.addi %add3A_47, %mul3A_46 : i32
        %add3A_49 = arith.constant 0 : i32
        %add3A_50 = arith.addi %add3A_48, %add3A_49 : i32
        %add3A_51 = arith.constant 1 : i32
        %add3A_52 = arith.addi %add3A_50, %add3A_51 : i32
        %lt3A_53 = arith.cmpi slt, %add3A_52, %min3A_30 : i32
        %convert_element_type3A_54 = arith.extui %lt3A_53 : i1 to i32
        %cond3A_55 = arith.constant 0 : i32
        %cond3A_56 = arith.cmpi ne, %convert_element_type3A_54, %cond3A_55 : i32
        scf.if %cond3A_56 {
          %add3A_73 = arith.constant 1 : i32
          %add3A_74 = arith.addi %add3A_50, %add3A_73 : i32
          %dma_start3A_75 = arith.constant 1 : i32
          %dma_start3A_76 = arith.constant 0 : i32
          %dma_start3A_77 = arith.constant 0 : i32
          %dma_start3A_78 = tpu.memref_slice %arg9[%dma_start3A_75, %dma_start3A_76, %dma_start3A_77] : memref<2x128x128xf32, #tpu.memory_space<vmem>> -> memref<1x128x128xf32, #tpu.memory_space<vmem>>
          %dma_start3A_79 = tpu.memref_squeeze %dma_start3A_78 : memref<1x128x128xf32, #tpu.memory_space<vmem>> -> memref<128x128xf32, #tpu.memory_space<vmem>>
          %dma_start3A_80 = arith.constant 0 : i32
          %dma_start3A_81 = tpu.memref_slice %arg7[%add3A_74, %dma_start3A_80] : memref<40x128xi32, #tpu.memory_space<vmem>> -> memref<1x128xi32, #tpu.memory_space<vmem>>
          %dma_start3A_82 = tpu.memref_squeeze %dma_start3A_81 : memref<1x128xi32, #tpu.memory_space<vmem>> -> memref<128xi32, #tpu.memory_space<vmem>>
          %dma_start3A_83 = arith.constant 0 : i32
          %dma_start3A_84 = arith.constant 0 : i32
          %dma_start3A_85 = tpu.memref_slice %arg2[%dma_start3A_83, %dma_start3A_84] : memref<10240x128xf32, #tpu.memory_space<hbm>> -> memref<10240x128xf32, #tpu.memory_space<hbm>>
          tpu.enqueue_indirect_dma source(%dma_start3A_85 : memref<10240x128xf32, #tpu.memory_space<hbm>>) target(%dma_start3A_79 : memref<128x128xf32, #tpu.memory_space<vmem>>) offsets(%dma_start3A_82 : memref<128xi32, #tpu.memory_space<vmem>>) semaphore(%arg11 : memref<!tpu.dma_semaphore, #tpu.memory_space<semaphore_mem>>)
        } else {
        }
        %lt3A_57 = arith.cmpi slt, %add3A_50, %min3A_30 : i32
        %convert_element_type3A_58 = arith.extui %lt3A_57 : i1 to i32
        %cond3A_59 = arith.constant 0 : i32
        %cond3A_60 = arith.cmpi ne, %convert_element_type3A_58, %cond3A_59 : i32
        scf.if %cond3A_60 {
          %dma_wait3A_73 = arith.constant 0 : i32
          %dma_wait3A_74 = arith.constant 0 : i32
          %dma_wait3A_75 = arith.constant 0 : i32
          %dma_wait3A_76 = tpu.memref_slice %arg9[%dma_wait3A_73, %dma_wait3A_74, %dma_wait3A_75] : memref<2x128x128xf32, #tpu.memory_space<vmem>> -> memref<1x128x128xf32, #tpu.memory_space<vmem>>
          %dma_wait3A_77 = tpu.memref_squeeze %dma_wait3A_76 : memref<1x128x128xf32, #tpu.memory_space<vmem>> -> memref<128x128xf32, #tpu.memory_space<vmem>>
          %dma_wait3A_78 = arith.constant 0 : i32
          %dma_wait3A_79 = tpu.memref_slice %arg7[%add3A_50, %dma_wait3A_78] : memref<40x128xi32, #tpu.memory_space<vmem>> -> memref<1x128xi32, #tpu.memory_space<vmem>>
          %dma_wait3A_80 = tpu.memref_squeeze %dma_wait3A_79 : memref<1x128xi32, #tpu.memory_space<vmem>> -> memref<128xi32, #tpu.memory_space<vmem>>
          %dma_wait3A_81 = arith.constant 0 : i32
          %dma_wait3A_82 = arith.constant 0 : i32
          %dma_wait3A_83 = tpu.memref_slice %arg2[%dma_wait3A_81, %dma_wait3A_82] : memref<10240x128xf32, #tpu.memory_space<hbm>> -> memref<10240x128xf32, #tpu.memory_space<hbm>>
          tpu.wait_indirect_dma semaphore(%arg10 : memref<!tpu.dma_semaphore, #tpu.memory_space<semaphore_mem>>) src(%dma_wait3A_83 : memref<10240x128xf32, #tpu.memory_space<hbm>>) dst(%dma_wait3A_77 : memref<128x128xf32, #tpu.memory_space<vmem>>)
          %run_scoped3A = arith.constant 0 : i32
          "tpu.region"() ({
            %run_scoped3A_84 = tpu.sem_alloc : memref<!tpu.dma_semaphore, #tpu.memory_space<semaphore_mem>>
            %dma_start3A_85 = arith.constant 0 : i32
            %dma_start3A_86 = arith.constant 0 : i32
            %dma_start3A_87 = tpu.memref_slice %arg9[%run_scoped3A, %dma_start3A_85, %dma_start3A_86] : memref<2x128x128xf32, #tpu.memory_space<vmem>> -> memref<1x128x128xf32, #tpu.memory_space<vmem>>
            %dma_start3A_88 = tpu.memref_squeeze %dma_start3A_87 : memref<1x128x128xf32, #tpu.memory_space<vmem>> -> memref<128x128xf32, #tpu.memory_space<vmem>>
            %dma_start3A_89 = arith.constant 0 : i32
            %dma_start3A_90 = tpu.memref_slice %arg8[%add3A_50, %dma_start3A_89] : memref<40x128xi32, #tpu.memory_space<vmem>> -> memref<1x128xi32, #tpu.memory_space<vmem>>
            %dma_start3A_91 = tpu.memref_squeeze %dma_start3A_90 : memref<1x128xi32, #tpu.memory_space<vmem>> -> memref<128xi32, #tpu.memory_space<vmem>>
            %dma_start3A_92 = arith.constant 0 : i32
            %dma_start3A_93 = arith.constant 0 : i32
            %dma_start3A_94 = tpu.memref_slice %arg6[%dma_start3A_92, %dma_start3A_93] : memref<10240x128xf32, #tpu.memory_space<vmem_shared>> -> memref<10240x128xf32, #tpu.memory_space<vmem_shared>>
            tpu.enqueue_indirect_dma source(%dma_start3A_88 : memref<128x128xf32, #tpu.memory_space<vmem>>) target(%dma_start3A_94 : memref<10240x128xf32, #tpu.memory_space<vmem_shared>>) offsets(%dma_start3A_91 : memref<128xi32, #tpu.memory_space<vmem>>) semaphore(%run_scoped3A_84 : memref<!tpu.dma_semaphore, #tpu.memory_space<semaphore_mem>>) {add = true}
            %dma_wait3A_95 = arith.constant 0 : i32
            %dma_wait3A_96 = arith.constant 0 : i32
            %dma_wait3A_97 = tpu.memref_slice %arg9[%run_scoped3A, %dma_wait3A_95, %dma_wait3A_96] : memref<2x128x128xf32, #tpu.memory_space<vmem>> -> memref<1x128x128xf32, #tpu.memory_space<vmem>>
            %dma_wait3A_98 = tpu.memref_squeeze %dma_wait3A_97 : memref<1x128x128xf32, #tpu.memory_space<vmem>> -> memref<128x128xf32, #tpu.memory_space<vmem>>
            %dma_wait3A_99 = arith.constant 0 : i32
            %dma_wait3A_100 = tpu.memref_slice %arg8[%add3A_50, %dma_wait3A_99] : memref<40x128xi32, #tpu.memory_space<vmem>> -> memref<1x128xi32, #tpu.memory_space<vmem>>
            %dma_wait3A_101 = tpu.memref_squeeze %dma_wait3A_100 : memref<1x128xi32, #tpu.memory_space<vmem>> -> memref<128xi32, #tpu.memory_space<vmem>>
            %dma_wait3A_102 = arith.constant 0 : i32
            %dma_wait3A_103 = arith.constant 0 : i32
            %dma_wait3A_104 = tpu.memref_slice %arg6[%dma_wait3A_102, %dma_wait3A_103] : memref<10240x128xf32, #tpu.memory_space<vmem_shared>> -> memref<10240x128xf32, #tpu.memory_space<vmem_shared>>
            tpu.wait_indirect_dma semaphore(%run_scoped3A_84 : memref<!tpu.dma_semaphore, #tpu.memory_space<semaphore_mem>>) src(%dma_wait3A_98 : memref<128x128xf32, #tpu.memory_space<vmem>>) dst(%dma_wait3A_104 : memref<10240x128xf32, #tpu.memory_space<vmem_shared>>)
            tpu.yield
          }) : () -> ()
        } else {
        }
        %add3A_61 = arith.constant 1 : i32
        %add3A_62 = arith.addi %add3A_48, %add3A_61 : i32
        %add3A_63 = arith.constant 1 : i32
        %add3A_64 = arith.addi %add3A_62, %add3A_63 : i32
        %lt3A_65 = arith.cmpi slt, %add3A_64, %min3A_30 : i32
        %convert_element_type3A_66 = arith.extui %lt3A_65 : i1 to i32
        %cond3A_67 = arith.constant 0 : i32
        %cond3A_68 = arith.cmpi ne, %convert_element_type3A_66, %cond3A_67 : i32
        scf.if %cond3A_68 {
          %add3A_73 = arith.constant 1 : i32
          %add3A_74 = arith.addi %add3A_62, %add3A_73 : i32
          %dma_start3A_75 = arith.constant 0 : i32
          %dma_start3A_76 = arith.constant 0 : i32
          %dma_start3A_77 = arith.constant 0 : i32
          %dma_start3A_78 = tpu.memref_slice %arg9[%dma_start3A_75, %dma_start3A_76, %dma_start3A_77] : memref<2x128x128xf32, #tpu.memory_space<vmem>> -> memref<1x128x128xf32, #tpu.memory_space<vmem>>
          %dma_start3A_79 = tpu.memref_squeeze %dma_start3A_78 : memref<1x128x128xf32, #tpu.memory_space<vmem>> -> memref<128x128xf32, #tpu.memory_space<vmem>>
          %dma_start3A_80 = arith.constant 0 : i32
          %dma_start3A_81 = tpu.memref_slice %arg7[%add3A_74, %dma_start3A_80] : memref<40x128xi32, #tpu.memory_space<vmem>> -> memref<1x128xi32, #tpu.memory_space<vmem>>
          %dma_start3A_82 = tpu.memref_squeeze %dma_start3A_81 : memref<1x128xi32, #tpu.memory_space<vmem>> -> memref<128xi32, #tpu.memory_space<vmem>>
          %dma_start3A_83 = arith.constant 0 : i32
          %dma_start3A_84 = arith.constant 0 : i32
          %dma_start3A_85 = tpu.memref_slice %arg2[%dma_start3A_83, %dma_start3A_84] : memref<10240x128xf32, #tpu.memory_space<hbm>> -> memref<10240x128xf32, #tpu.memory_space<hbm>>
          tpu.enqueue_indirect_dma source(%dma_start3A_85 : memref<10240x128xf32, #tpu.memory_space<hbm>>) target(%dma_start3A_79 : memref<128x128xf32, #tpu.memory_space<vmem>>) offsets(%dma_start3A_82 : memref<128xi32, #tpu.memory_space<vmem>>) semaphore(%arg10 : memref<!tpu.dma_semaphore, #tpu.memory_space<semaphore_mem>>)
        } else {
        }
        %lt3A_69 = arith.cmpi slt, %add3A_62, %min3A_30 : i32
        %convert_element_type3A_70 = arith.extui %lt3A_69 : i1 to i32
        %cond3A_71 = arith.constant 0 : i32
        %cond3A_72 = arith.cmpi ne, %convert_element_type3A_70, %cond3A_71 : i32
        scf.if %cond3A_72 {
          %dma_wait3A_73 = arith.constant 1 : i32
          %dma_wait3A_74 = arith.constant 0 : i32
          %dma_wait3A_75 = arith.constant 0 : i32
          %dma_wait3A_76 = tpu.memref_slice %arg9[%dma_wait3A_73, %dma_wait3A_74, %dma_wait3A_75] : memref<2x128x128xf32, #tpu.memory_space<vmem>> -> memref<1x128x128xf32, #tpu.memory_space<vmem>>
          %dma_wait3A_77 = tpu.memref_squeeze %dma_wait3A_76 : memref<1x128x128xf32, #tpu.memory_space<vmem>> -> memref<128x128xf32, #tpu.memory_space<vmem>>
          %dma_wait3A_78 = arith.constant 0 : i32
          %dma_wait3A_79 = tpu.memref_slice %arg7[%add3A_62, %dma_wait3A_78] : memref<40x128xi32, #tpu.memory_space<vmem>> -> memref<1x128xi32, #tpu.memory_space<vmem>>
          %dma_wait3A_80 = tpu.memref_squeeze %dma_wait3A_79 : memref<1x128xi32, #tpu.memory_space<vmem>> -> memref<128xi32, #tpu.memory_space<vmem>>
          %dma_wait3A_81 = arith.constant 0 : i32
          %dma_wait3A_82 = arith.constant 0 : i32
          %dma_wait3A_83 = tpu.memref_slice %arg2[%dma_wait3A_81, %dma_wait3A_82] : memref<10240x128xf32, #tpu.memory_space<hbm>> -> memref<10240x128xf32, #tpu.memory_space<hbm>>
          tpu.wait_indirect_dma semaphore(%arg11 : memref<!tpu.dma_semaphore, #tpu.memory_space<semaphore_mem>>) src(%dma_wait3A_83 : memref<10240x128xf32, #tpu.memory_space<hbm>>) dst(%dma_wait3A_77 : memref<128x128xf32, #tpu.memory_space<vmem>>)
          %run_scoped3A = arith.constant 1 : i32
          "tpu.region"() ({
            %run_scoped3A_84 = tpu.sem_alloc : memref<!tpu.dma_semaphore, #tpu.memory_space<semaphore_mem>>
            %dma_start3A_85 = arith.constant 0 : i32
            %dma_start3A_86 = arith.constant 0 : i32
            %dma_start3A_87 = tpu.memref_slice %arg9[%run_scoped3A, %dma_start3A_85, %dma_start3A_86] : memref<2x128x128xf32, #tpu.memory_space<vmem>> -> memref<1x128x128xf32, #tpu.memory_space<vmem>>
            %dma_start3A_88 = tpu.memref_squeeze %dma_start3A_87 : memref<1x128x128xf32, #tpu.memory_space<vmem>> -> memref<128x128xf32, #tpu.memory_space<vmem>>
            %dma_start3A_89 = arith.constant 0 : i32
            %dma_start3A_90 = tpu.memref_slice %arg8[%add3A_62, %dma_start3A_89] : memref<40x128xi32, #tpu.memory_space<vmem>> -> memref<1x128xi32, #tpu.memory_space<vmem>>
            %dma_start3A_91 = tpu.memref_squeeze %dma_start3A_90 : memref<1x128xi32, #tpu.memory_space<vmem>> -> memref<128xi32, #tpu.memory_space<vmem>>
            %dma_start3A_92 = arith.constant 0 : i32
            %dma_start3A_93 = arith.constant 0 : i32
            %dma_start3A_94 = tpu.memref_slice %arg6[%dma_start3A_92, %dma_start3A_93] : memref<10240x128xf32, #tpu.memory_space<vmem_shared>> -> memref<10240x128xf32, #tpu.memory_space<vmem_shared>>
            tpu.enqueue_indirect_dma source(%dma_start3A_88 : memref<128x128xf32, #tpu.memory_space<vmem>>) target(%dma_start3A_94 : memref<10240x128xf32, #tpu.memory_space<vmem_shared>>) offsets(%dma_start3A_91 : memref<128xi32, #tpu.memory_space<vmem>>) semaphore(%run_scoped3A_84 : memref<!tpu.dma_semaphore, #tpu.memory_space<semaphore_mem>>) {add = true}
            %dma_wait3A_95 = arith.constant 0 : i32
            %dma_wait3A_96 = arith.constant 0 : i32
            %dma_wait3A_97 = tpu.memref_slice %arg9[%run_scoped3A, %dma_wait3A_95, %dma_wait3A_96] : memref<2x128x128xf32, #tpu.memory_space<vmem>> -> memref<1x128x128xf32, #tpu.memory_space<vmem>>
            %dma_wait3A_98 = tpu.memref_squeeze %dma_wait3A_97 : memref<1x128x128xf32, #tpu.memory_space<vmem>> -> memref<128x128xf32, #tpu.memory_space<vmem>>
            %dma_wait3A_99 = arith.constant 0 : i32
            %dma_wait3A_100 = tpu.memref_slice %arg8[%add3A_62, %dma_wait3A_99] : memref<40x128xi32, #tpu.memory_space<vmem>> -> memref<1x128xi32, #tpu.memory_space<vmem>>
            %dma_wait3A_101 = tpu.memref_squeeze %dma_wait3A_100 : memref<1x128xi32, #tpu.memory_space<vmem>> -> memref<128xi32, #tpu.memory_space<vmem>>
            %dma_wait3A_102 = arith.constant 0 : i32
            %dma_wait3A_103 = arith.constant 0 : i32
            %dma_wait3A_104 = tpu.memref_slice %arg6[%dma_wait3A_102, %dma_wait3A_103] : memref<10240x128xf32, #tpu.memory_space<vmem_shared>> -> memref<10240x128xf32, #tpu.memory_space<vmem_shared>>
            tpu.wait_indirect_dma semaphore(%run_scoped3A_84 : memref<!tpu.dma_semaphore, #tpu.memory_space<semaphore_mem>>) src(%dma_wait3A_98 : memref<128x128xf32, #tpu.memory_space<vmem>>) dst(%dma_wait3A_104 : memref<10240x128xf32, #tpu.memory_space<vmem_shared>>)
            tpu.yield
          }) : () -> ()
        } else {
        }
      }
      %scan3A_43 = arith.constant 20 : i32
    }
    %scan3A_17 = arith.constant 2 : i32
    %barrier3A_18 = arith.constant 0 : index
    tpu.barrier barrier_id(%barrier3A_18)
    %mul3A_19 = arith.constant 640 : i32
    %mul3A_20 = arith.muli %arg1, %mul3A_19 : i32
    %mul3A_21 = arith.constant 640 : i32
    %mul3A_22 = arith.muli %arg1, %mul3A_21 : i32
    "tpu.region"() ({
      %run_scoped3A = tpu.sem_alloc : memref<!tpu.dma_semaphore, #tpu.memory_space<semaphore_mem>>
      %dma_start3A_23 = arith.constant 0 : i32
      %dma_start3A_24 = tpu.memref_slice %arg5[%arg0, %mul3A_22, %dma_start3A_23] : memref<2x10240x128xf32, #tpu.memory_space<hbm>> -> memref<1x640x128xf32, #tpu.memory_space<hbm>>
      %dma_start3A_25 = tpu.memref_squeeze %dma_start3A_24 : memref<1x640x128xf32, #tpu.memory_space<hbm>> -> memref<640x128xf32, #tpu.memory_space<hbm>>
      %dma_start3A_26 = arith.constant 0 : i32
      %dma_start3A_27 = tpu.memref_slice %arg6[%mul3A_20, %dma_start3A_26] : memref<10240x128xf32, #tpu.memory_space<vmem_shared>> -> memref<640x128xf32, #tpu.memory_space<vmem_shared>>
      tpu.enqueue_dma source(%dma_start3A_27 : memref<640x128xf32, #tpu.memory_space<vmem_shared>>) target(%dma_start3A_25 : memref<640x128xf32, #tpu.memory_space<hbm>>) target_semaphore(%run_scoped3A : memref<!tpu.dma_semaphore, #tpu.memory_space<semaphore_mem>>)
      %dma_wait3A_28 = arith.constant 0 : i32
      %dma_wait3A_29 = tpu.memref_slice %arg5[%arg0, %mul3A_22, %dma_wait3A_28] : memref<2x10240x128xf32, #tpu.memory_space<hbm>> -> memref<1x640x128xf32, #tpu.memory_space<hbm>>
      %dma_wait3A_30 = tpu.memref_squeeze %dma_wait3A_29 : memref<1x640x128xf32, #tpu.memory_space<hbm>> -> memref<640x128xf32, #tpu.memory_space<hbm>>
      %dma_wait3A_31 = arith.constant 0 : i32
      %dma_wait3A_32 = tpu.memref_slice %arg6[%mul3A_20, %dma_wait3A_31] : memref<10240x128xf32, #tpu.memory_space<vmem_shared>> -> memref<640x128xf32, #tpu.memory_space<vmem_shared>>
      tpu.wait_dma2 semaphore(%run_scoped3A : memref<!tpu.dma_semaphore, #tpu.memory_space<semaphore_mem>>) src(%dma_wait3A_32 : memref<640x128xf32, #tpu.memory_space<vmem_shared>>) dst(%dma_wait3A_30 : memref<640x128xf32, #tpu.memory_space<hbm>>)
      tpu.yield
    }) : () -> ()
    return
  }
}

module attributes {stable_mosaic.version = 14 : i64} {
  func.func @_mlp_body(%arg0: i32, %arg1: memref<1024x128xf32, #tpu.memory_space<vmem>>, %arg2: memref<1024x128xf32, #tpu.memory_space<vmem>>, %arg3: memref<1024x128xf32, #tpu.memory_space<vmem>>, %arg4: memref<128x128xf32, #tpu.memory_space<vmem>>, %arg5: memref<1x128xf32, #tpu.memory_space<vmem>>, %arg6: memref<128x128xf32, #tpu.memory_space<vmem>>, %arg7: memref<1x128xf32, #tpu.memory_space<vmem>>, %arg8: memref<1024x128xf32, #tpu.memory_space<vmem>>) attributes {dimension_semantics = [#tpu.dimension_semantics<arbitrary>], iteration_bounds = array<i64: 10>, scalar_prefetch = 0 : i64, scratch_operands = 0 : i64, tpu.core_type = #tpu.core_type<tc>, window_params = [{transform_indices = @transform_0, window_bounds = array<i64: 1024, 128>}, {transform_indices = @transform_1, window_bounds = array<i64: 1024, 128>}, {transform_indices = @transform_2, window_bounds = array<i64: 1024, 128>}, {pipeline_mode = #tpu.pipeline_mode<synchronous>, transform_indices = @transform_3, window_bounds = array<i64: 128, 128>}, {pipeline_mode = #tpu.pipeline_mode<synchronous>, transform_indices = @transform_4, window_bounds = array<i64: 1, 128>}, {pipeline_mode = #tpu.pipeline_mode<synchronous>, transform_indices = @transform_5, window_bounds = array<i64: 128, 128>}, {pipeline_mode = #tpu.pipeline_mode<synchronous>, transform_indices = @transform_6, window_bounds = array<i64: 1, 128>}, {transform_indices = @transform_7, window_bounds = array<i64: 1024, 128>}]} {
    %get3A = arith.constant 0 : index
    %get3A_0 = arith.constant 0 : index
    %get3A_1 = vector.load %arg1[%get3A, %get3A_0] : memref<1024x128xf32, #tpu.memory_space<vmem>>, vector<1024x128xf32>
    %get3A_2 = arith.constant 0 : index
    %get3A_3 = arith.constant 0 : index
    %get3A_4 = vector.load %arg2[%get3A_2, %get3A_3] : memref<1024x128xf32, #tpu.memory_space<vmem>>, vector<1024x128xf32>
    %add3A = arith.addf %get3A_1, %get3A_4 : vector<1024x128xf32>
    %get3A_5 = arith.constant 0 : index
    %get3A_6 = arith.constant 0 : index
    %get3A_7 = vector.load %arg3[%get3A_5, %get3A_6] : memref<1024x128xf32, #tpu.memory_space<vmem>>, vector<1024x128xf32>
    %sub3A = arith.subf %add3A, %get3A_7 : vector<1024x128xf32>
    %get3A_8 = arith.constant 0 : index
    %get3A_9 = arith.constant 0 : index
    %get3A_10 = vector.load %arg4[%get3A_8, %get3A_9] : memref<128x128xf32, #tpu.memory_space<vmem>>, vector<128x128xf32>
    %dot_general3A = arith.constant dense<0.000000e+00> : vector<1024x128xf32>
    %dot_general3A_11 = tpu.matmul %sub3A, %get3A_10, %dot_general3A {dimension_numbers = #tpu.dot_dimension_numbers<[1], [0], [0], [1], [0, 0, 1, 1], [], []>, transpose_lhs_hint = false} : vector<1024x128xf32>, vector<128x128xf32>, vector<1024x128xf32> -> vector<1024x128xf32>
    %get3A_12 = arith.constant 0 : index
    %get3A_13 = arith.constant 0 : index
    %get3A_14 = vector.load %arg5[%get3A_12, %get3A_13] : memref<1x128xf32, #tpu.memory_space<vmem>>, vector<1x128xf32>
    %add3A_15 = vector.broadcast %get3A_14 : vector<1x128xf32> to vector<1024x128xf32>
    %add3A_16 = arith.addf %dot_general3A_11, %add3A_15 : vector<1024x128xf32>
    %max3A = arith.constant 0.000000e+00 : f32
    %max3A_17 = vector.broadcast %max3A : f32 to vector<1024x128xf32>
    %max3A_18 = arith.maximumf %add3A_16, %max3A_17 : vector<1024x128xf32>
    %get3A_19 = arith.constant 0 : index
    %get3A_20 = arith.constant 0 : index
    %get3A_21 = vector.load %arg6[%get3A_19, %get3A_20] : memref<128x128xf32, #tpu.memory_space<vmem>>, vector<128x128xf32>
    %dot_general3A_22 = arith.constant dense<0.000000e+00> : vector<1024x128xf32>
    %dot_general3A_23 = tpu.matmul %max3A_18, %get3A_21, %dot_general3A_22 {dimension_numbers = #tpu.dot_dimension_numbers<[1], [0], [0], [1], [0, 0, 1, 1], [], []>, transpose_lhs_hint = false} : vector<1024x128xf32>, vector<128x128xf32>, vector<1024x128xf32> -> vector<1024x128xf32>
    %get3A_24 = arith.constant 0 : index
    %get3A_25 = arith.constant 0 : index
    %get3A_26 = vector.load %arg7[%get3A_24, %get3A_25] : memref<1x128xf32, #tpu.memory_space<vmem>>, vector<1x128xf32>
    %add3A_27 = vector.broadcast %get3A_26 : vector<1x128xf32> to vector<1024x128xf32>
    %add3A_28 = arith.addf %dot_general3A_23, %add3A_27 : vector<1024x128xf32>
    %max3A_29 = arith.constant 0.000000e+00 : f32
    %max3A_30 = vector.broadcast %max3A_29 : f32 to vector<1024x128xf32>
    %max3A_31 = arith.maximumf %add3A_28, %max3A_30 : vector<1024x128xf32>
    %swap3A = arith.constant 0 : index
    %swap3A_32 = arith.constant 0 : index
    %swap3A_33 = vector.load %arg8[%swap3A, %swap3A_32] : memref<1024x128xf32, #tpu.memory_space<vmem>>, vector<1024x128xf32>
    tpu.vector_store %arg8[%swap3A, %swap3A_32], %max3A_31 {strides = array<i32>} : memref<1024x128xf32, #tpu.memory_space<vmem>>, vector<1024x128xf32>,
    return
  }
  func.func @transform_0(%arg0: i32) -> (i32, i32) {
    %c0_i32 = arith.constant 0 : i32
    %c0_i32_0 = arith.constant 0 : i32
    return %arg0, %c0_i32 : i32, i32
  }
  func.func @transform_1(%arg0: i32) -> (i32, i32) {
    %c0_i32 = arith.constant 0 : i32
    %c0_i32_0 = arith.constant 0 : i32
    return %arg0, %c0_i32 : i32, i32
  }
  func.func @transform_2(%arg0: i32) -> (i32, i32) {
    %c0_i32 = arith.constant 0 : i32
    %c0_i32_0 = arith.constant 0 : i32
    return %arg0, %c0_i32 : i32, i32
  }
  func.func @transform_3(%arg0: i32) -> (i32, i32) {
    %c0_i32 = arith.constant 0 : i32
    %c0_i32_0 = arith.constant 0 : i32
    %c0_i32_1 = arith.constant 0 : i32
    return %c0_i32, %c0_i32_0 : i32, i32
  }
  func.func @transform_4(%arg0: i32) -> (i32, i32) {
    %c0_i32 = arith.constant 0 : i32
    %c0_i32_0 = arith.constant 0 : i32
    %c0_i32_1 = arith.constant 0 : i32
    return %c0_i32, %c0_i32_0 : i32, i32
  }
  func.func @transform_5(%arg0: i32) -> (i32, i32) {
    %c0_i32 = arith.constant 0 : i32
    %c0_i32_0 = arith.constant 0 : i32
    %c0_i32_1 = arith.constant 0 : i32
    return %c0_i32, %c0_i32_0 : i32, i32
  }
  func.func @transform_6(%arg0: i32) -> (i32, i32) {
    %c0_i32 = arith.constant 0 : i32
    %c0_i32_0 = arith.constant 0 : i32
    %c0_i32_1 = arith.constant 0 : i32
    return %c0_i32, %c0_i32_0 : i32, i32
  }
  func.func @transform_7(%arg0: i32) -> (i32, i32) {
    %c0_i32 = arith.constant 0 : i32
    %c0_i32_0 = arith.constant 0 : i32
    return %arg0, %c0_i32 : i32, i32
  }
}

module attributes {stable_mosaic.version = 14 : i64} {
  func.func @_final_body(%arg0: i32, %arg1: memref<1024x128xf32, #tpu.memory_space<vmem>>, %arg2: memref<1024x128xf32, #tpu.memory_space<vmem>>, %arg3: memref<1024x128xf32, #tpu.memory_space<vmem>>, %arg4: memref<128x128xf32, #tpu.memory_space<vmem>>, %arg5: memref<1x128xf32, #tpu.memory_space<vmem>>, %arg6: memref<128x128xf32, #tpu.memory_space<vmem>>, %arg7: memref<1x128xf32, #tpu.memory_space<vmem>>, %arg8: memref<1024x1xi32, #tpu.memory_space<vmem>>, %arg9: memref<128x1xf32, #tpu.memory_space<vmem>>, %arg10: memref<1x1xf32, #tpu.memory_space<vmem>>, %arg11: memref<128x1xf32, #tpu.memory_space<vmem>>, %arg12: memref<128x128xf32, #tpu.memory_space<vmem>>) attributes {dimension_semantics = [#tpu.dimension_semantics<arbitrary>], iteration_bounds = array<i64: 10>, scalar_prefetch = 0 : i64, scratch_operands = 1 : i64, tpu.core_type = #tpu.core_type<tc>, window_params = [{transform_indices = @transform_0, window_bounds = array<i64: 1024, 128>}, {transform_indices = @transform_1, window_bounds = array<i64: 1024, 128>}, {transform_indices = @transform_2, window_bounds = array<i64: 1024, 128>}, {pipeline_mode = #tpu.pipeline_mode<synchronous>, transform_indices = @transform_3, window_bounds = array<i64: 128, 128>}, {pipeline_mode = #tpu.pipeline_mode<synchronous>, transform_indices = @transform_4, window_bounds = array<i64: 1, 128>}, {pipeline_mode = #tpu.pipeline_mode<synchronous>, transform_indices = @transform_5, window_bounds = array<i64: 128, 128>}, {pipeline_mode = #tpu.pipeline_mode<synchronous>, transform_indices = @transform_6, window_bounds = array<i64: 1, 128>}, {transform_indices = @transform_7, window_bounds = array<i64: 1024, 1>}, {pipeline_mode = #tpu.pipeline_mode<synchronous>, transform_indices = @transform_8, window_bounds = array<i64: 128, 1>}, {pipeline_mode = #tpu.pipeline_mode<synchronous>, transform_indices = @transform_9, window_bounds = array<i64: 1, 1>}, {pipeline_mode = #tpu.pipeline_mode<synchronous>, transform_indices = @transform_10, window_bounds = array<i64: 128, 1>}]} {
    %get3A = arith.constant 0 : index
    %get3A_0 = arith.constant 0 : index
    %get3A_1 = vector.load %arg1[%get3A, %get3A_0] : memref<1024x128xf32, #tpu.memory_space<vmem>>, vector<1024x128xf32>
    %get3A_2 = arith.constant 0 : index
    %get3A_3 = arith.constant 0 : index
    %get3A_4 = vector.load %arg2[%get3A_2, %get3A_3] : memref<1024x128xf32, #tpu.memory_space<vmem>>, vector<1024x128xf32>
    %add3A = arith.addf %get3A_1, %get3A_4 : vector<1024x128xf32>
    %get3A_5 = arith.constant 0 : index
    %get3A_6 = arith.constant 0 : index
    %get3A_7 = vector.load %arg3[%get3A_5, %get3A_6] : memref<1024x128xf32, #tpu.memory_space<vmem>>, vector<1024x128xf32>
    %sub3A = arith.subf %add3A, %get3A_7 : vector<1024x128xf32>
    %get3A_8 = arith.constant 0 : index
    %get3A_9 = arith.constant 0 : index
    %get3A_10 = vector.load %arg4[%get3A_8, %get3A_9] : memref<128x128xf32, #tpu.memory_space<vmem>>, vector<128x128xf32>
    %dot_general3A = arith.constant dense<0.000000e+00> : vector<1024x128xf32>
    %dot_general3A_11 = tpu.matmul %sub3A, %get3A_10, %dot_general3A {dimension_numbers = #tpu.dot_dimension_numbers<[1], [0], [0], [1], [0, 0, 1, 1], [], []>, transpose_lhs_hint = false} : vector<1024x128xf32>, vector<128x128xf32>, vector<1024x128xf32> -> vector<1024x128xf32>
    %get3A_12 = arith.constant 0 : index
    %get3A_13 = arith.constant 0 : index
    %get3A_14 = vector.load %arg5[%get3A_12, %get3A_13] : memref<1x128xf32, #tpu.memory_space<vmem>>, vector<1x128xf32>
    %add3A_15 = vector.broadcast %get3A_14 : vector<1x128xf32> to vector<1024x128xf32>
    %add3A_16 = arith.addf %dot_general3A_11, %add3A_15 : vector<1024x128xf32>
    %max3A = arith.constant 0.000000e+00 : f32
    %max3A_17 = vector.broadcast %max3A : f32 to vector<1024x128xf32>
    %max3A_18 = arith.maximumf %add3A_16, %max3A_17 : vector<1024x128xf32>
    %get3A_19 = arith.constant 0 : index
    %get3A_20 = arith.constant 0 : index
    %get3A_21 = vector.load %arg6[%get3A_19, %get3A_20] : memref<128x128xf32, #tpu.memory_space<vmem>>, vector<128x128xf32>
    %dot_general3A_22 = arith.constant dense<0.000000e+00> : vector<1024x128xf32>
    %dot_general3A_23 = tpu.matmul %max3A_18, %get3A_21, %dot_general3A_22 {dimension_numbers = #tpu.dot_dimension_numbers<[1], [0], [0], [1], [0, 0, 1, 1], [], []>, transpose_lhs_hint = false} : vector<1024x128xf32>, vector<128x128xf32>, vector<1024x128xf32> -> vector<1024x128xf32>
    %get3A_24 = arith.constant 0 : index
    %get3A_25 = arith.constant 0 : index
    %get3A_26 = vector.load %arg7[%get3A_24, %get3A_25] : memref<1x128xf32, #tpu.memory_space<vmem>>, vector<1x128xf32>
    %add3A_27 = vector.broadcast %get3A_26 : vector<1x128xf32> to vector<1024x128xf32>
    %add3A_28 = arith.addf %dot_general3A_23, %add3A_27 : vector<1024x128xf32>
    %get3A_29 = arith.constant 0 : index
    %get3A_30 = arith.constant 0 : index
    %get3A_31 = vector.load %arg8[%get3A_29, %get3A_30] : memref<1024x1xi32, #tpu.memory_space<vmem>>, vector<1024x1xi32>
    %iota3A = tpu.iota {dimensions = array<i32: 1>} : vector<1024x128xi32>
    %eq3A = vector.broadcast %get3A_31 : vector<1024x1xi32> to vector<1024x128xi32>
    %eq3A_32 = arith.cmpi eq, %eq3A, %iota3A : vector<1024x128xi32>
    %convert_element_type3A = arith.extui %eq3A_32 : vector<1024x128xi1> to vector<1024x128xi32>
    %convert_element_type3A_33 = arith.sitofp %convert_element_type3A : vector<1024x128xi32> to vector<1024x128xf32>
    %dot_general3A_34 = arith.constant dense<0.000000e+00> : vector<128x128xf32>
    %dot_general3A_35 = tpu.matmul %convert_element_type3A_33, %add3A_28, %dot_general3A_34 {dimension_numbers = #tpu.dot_dimension_numbers<[0], [0], [1], [1], [0, 1, 1, 1], [], []>, precision = #tpu.contract_precision<fp32>, transpose_lhs_hint = false} : vector<1024x128xf32>, vector<1024x128xf32>, vector<128x128xf32> -> vector<128x128xf32>
    %eq3A_36 = arith.constant 0 : i32
    %eq3A_37 = arith.cmpi eq, %arg0, %eq3A_36 : i32
    %convert_element_type3A_38 = arith.extui %eq3A_37 : i1 to i32
    %cond3A = arith.constant 0 : i32
    %cond3A_39 = arith.cmpi ne, %convert_element_type3A_38, %cond3A : i32
    scf.if %cond3A_39 {
      %broadcast_in_dim3A = arith.constant 0.000000e+00 : f32
      %broadcast_in_dim3A_51 = vector.broadcast %broadcast_in_dim3A : f32 to vector<128x128xf32>
      %swap3A_52 = arith.constant 0 : index
      %swap3A_53 = arith.constant 0 : index
      %swap3A_54 = vector.load %arg12[%swap3A_52, %swap3A_53] : memref<128x128xf32, #tpu.memory_space<vmem>>, vector<128x128xf32>
      tpu.vector_store %arg12[%swap3A_52, %swap3A_53], %broadcast_in_dim3A_51 {strides = array<i32>} : memref<128x128xf32, #tpu.memory_space<vmem>>, vector<128x128xf32>,
    } else {
    }
    %get3A_40 = arith.constant 0 : index
    %get3A_41 = arith.constant 0 : index
    %get3A_42 = vector.load %arg12[%get3A_40, %get3A_41] : memref<128x128xf32, #tpu.memory_space<vmem>>, vector<128x128xf32>
    %add3A_43 = arith.addf %get3A_42, %dot_general3A_35 : vector<128x128xf32>
    %swap3A = arith.constant 0 : index
    %swap3A_44 = arith.constant 0 : index
    %swap3A_45 = vector.load %arg12[%swap3A, %swap3A_44] : memref<128x128xf32, #tpu.memory_space<vmem>>, vector<128x128xf32>
    tpu.vector_store %arg12[%swap3A, %swap3A_44], %add3A_43 {strides = array<i32>} : memref<128x128xf32, #tpu.memory_space<vmem>>, vector<128x128xf32>,
    %eq3A_46 = arith.constant 9 : i32
    %eq3A_47 = arith.cmpi eq, %arg0, %eq3A_46 : i32
    %convert_element_type3A_48 = arith.extui %eq3A_47 : i1 to i32
    %cond3A_49 = arith.constant 0 : i32
    %cond3A_50 = arith.cmpi ne, %convert_element_type3A_48, %cond3A_49 : i32
    scf.if %cond3A_50 {
      %get3A_51 = arith.constant 0 : index
      %get3A_52 = arith.constant 0 : index
      %get3A_53 = vector.load %arg12[%get3A_51, %get3A_52] : memref<128x128xf32, #tpu.memory_space<vmem>>, vector<128x128xf32>
      %get3A_54 = arith.constant 0 : index
      %get3A_55 = arith.constant 0 : index
      %get3A_56 = vector.load %arg9[%get3A_54, %get3A_55] : memref<128x1xf32, #tpu.memory_space<vmem>>, vector<128x1xf32>
      %dot_general3A_57 = arith.constant dense<0.000000e+00> : vector<128x1xf32>
      %dot_general3A_58 = tpu.matmul %get3A_53, %get3A_56, %dot_general3A_57 {dimension_numbers = #tpu.dot_dimension_numbers<[1], [0], [0], [1], [0, 0, 1, 1], [], []>, transpose_lhs_hint = false} : vector<128x128xf32>, vector<128x1xf32>, vector<128x1xf32> -> vector<128x1xf32>
      %get3A_59 = arith.constant 0 : index
      %get3A_60 = arith.constant 0 : index
      %get3A_61 = vector.load %arg10[%get3A_59, %get3A_60] : memref<1x1xf32, #tpu.memory_space<vmem>>, vector<1x1xf32>
      %add3A_62 = vector.broadcast %get3A_61 : vector<1x1xf32> to vector<128x1xf32>
      %add3A_63 = arith.addf %dot_general3A_58, %add3A_62 : vector<128x1xf32>
      %swap3A_64 = arith.constant 0 : index
      %swap3A_65 = arith.constant 0 : index
      %swap3A_66 = vector.load %arg11[%swap3A_64, %swap3A_65] : memref<128x1xf32, #tpu.memory_space<vmem>>, vector<128x1xf32>
      tpu.vector_store %arg11[%swap3A_64, %swap3A_65], %add3A_63 {strides = array<i32>} : memref<128x1xf32, #tpu.memory_space<vmem>>, vector<128x1xf32>,
    } else {
    }
    return
  }
  func.func @transform_0(%arg0: i32) -> (i32, i32) {
    %c0_i32 = arith.constant 0 : i32
    %c0_i32_0 = arith.constant 0 : i32
    return %arg0, %c0_i32 : i32, i32
  }
  func.func @transform_1(%arg0: i32) -> (i32, i32) {
    %c0_i32 = arith.constant 0 : i32
    %c0_i32_0 = arith.constant 0 : i32
    return %arg0, %c0_i32 : i32, i32
  }
  func.func @transform_2(%arg0: i32) -> (i32, i32) {
    %c0_i32 = arith.constant 0 : i32
    %c0_i32_0 = arith.constant 0 : i32
    return %arg0, %c0_i32 : i32, i32
  }
  func.func @transform_3(%arg0: i32) -> (i32, i32) {
    %c0_i32 = arith.constant 0 : i32
    %c0_i32_0 = arith.constant 0 : i32
    %c0_i32_1 = arith.constant 0 : i32
    return %c0_i32, %c0_i32_0 : i32, i32
  }
  func.func @transform_4(%arg0: i32) -> (i32, i32) {
    %c0_i32 = arith.constant 0 : i32
    %c0_i32_0 = arith.constant 0 : i32
    %c0_i32_1 = arith.constant 0 : i32
    return %c0_i32, %c0_i32_0 : i32, i32
  }
  func.func @transform_5(%arg0: i32) -> (i32, i32) {
    %c0_i32 = arith.constant 0 : i32
    %c0_i32_0 = arith.constant 0 : i32
    %c0_i32_1 = arith.constant 0 : i32
    return %c0_i32, %c0_i32_0 : i32, i32
  }
  func.func @transform_6(%arg0: i32) -> (i32, i32) {
    %c0_i32 = arith.constant 0 : i32
    %c0_i32_0 = arith.constant 0 : i32
    %c0_i32_1 = arith.constant 0 : i32
    return %c0_i32, %c0_i32_0 : i32, i32
  }
  func.func @transform_7(%arg0: i32) -> (i32, i32) {
    %c0_i32 = arith.constant 0 : i32
    %c0_i32_0 = arith.constant 0 : i32
    return %arg0, %c0_i32 : i32, i32
  }
  func.func @transform_8(%arg0: i32) -> (i32, i32) {
    %c0_i32 = arith.constant 0 : i32
    %c0_i32_0 = arith.constant 0 : i32
    %c0_i32_1 = arith.constant 0 : i32
    return %c0_i32, %c0_i32_0 : i32, i32
  }
  func.func @transform_9(%arg0: i32) -> (i32, i32) {
    %c0_i32 = arith.constant 0 : i32
    %c0_i32_0 = arith.constant 0 : i32
    %c0_i32_1 = arith.constant 0 : i32
    return %c0_i32, %c0_i32_0 : i32, i32
  }
  func.func @transform_10(%arg0: i32) -> (i32, i32) {
    %c0_i32 = arith.constant 0 : i32
    %c0_i32_0 = arith.constant 0 : i32
    %c0_i32_1 = arith.constant 0 : i32
    return %c0_i32, %c0_i32_0 : i32, i32
  }
}

</mosaic_0001>

<sc_bundles>
// kernel: kernel.11.cloned.1.call-start
scs
__scs_entry_jumppad:
0x0: {  	(pc) =	sbr.rel $0x88, $3  }
0x1: {  	(tag) =	ssettag $0x0;
	lr =	simm.s32 $0x1  }
0x2: {  	[smem:$0x3F90] =	sst lr;
	_ =	strace $0xD0000000  }
0x3: {  	_ = 	snop  }
0x4: {  	_ = 	snop  }
0x5: {  	_ = 	snop  }
0x6: {  	_ = 	snop  }
0x7: {  	_ = 	snop  }
__scs_overlays_trampoline_lowered:
0x8: {  	[smem:$0x3F9F] =	sst s0  }
0x9: {  	[smem:$0x3FA0] =	sst s1  }
0xa: {  	[smem:$0x3FA1] =	sst s2  }
0xb: {  	[smem:$0x3FA2] =	sst s3  }
0xc: {  	[smem:$0x3FA3] =	sst s4  }
0xd: {  	[smem:$0x3FA4] =	sst s5  }
0xe: {  	[smem:$0x3FA5] =	sst s6  }
0xf: {  	[smem:$0x3FA6] =	sst s7  }
0x10: {  	[smem:$0x3FA7] =	sst s8  }
0x11: {  	[smem:$0x3FA8] =	sst s9;
	s0 =	simm.s32 @!p0 $0x0  }
0x12: {  	s1 =	sld [smem:$0x3F8E];
	s0 =	simm.s32 @p0 $0x1  }
0x13: {  	[smem:$0x3FA9] =	sst s0;
	s0 =	simm.s32 @!p1 $0x0  }
0x14: {  	s2 =	sld [smem:$0x3F8D];
	s0 =	simm.s32 @p1 $0x1  }
0x15: {  	[smem:$0x3FAA] =	sst s0;
	s0 =	simm.s32 @!p2 $0x0  }
0x16: {  	s3 =	sld [smem:$0x3FDB];
	s0 =	simm.s32 @p2 $0x1  }
0x17: {  	s4 =	simm.s32 $0x1BF5;
	[smem:$0x3FAC] =	sst s0  }
0x18: {  	s0 =	sld [smem:$0x3F8F];
	_ =	swait.ge [sflag:s4], $0x0  }
0x19: {  	s7 =	sld [smem:$0x3F90]  }
0x1a: {  	s8 =	sadd.s32 $0xFFFFE003, lr  }
0x1b: {  	s9 =	sadd.s32 $0xFFFFFEF7, lr;
	s5 =	simm.s32 $0xFFFFFFFF;
	p2 =	slt.u32 s8, $0xFFFFF086  }
0x1c: {  	p1 =	slt.u32 s9, $0xF7A;
	s5 =	simm.s32 @!p2 $0x0  }
0x1d: {  	s5 =	simm.s32 @p1 $0x1;
	p0 =	seq.s32 s7, s2  }
0x1e: {  	s7 =	smul.u32 @!p0 $0xF7A, s2;
	p2 =	seq.s32 @!p0 s5, $0x0  }
0x1f: {  	s9 =	smul.u32 $0xF7A, s1;
	s8 =	simm.s32 @!p0 $0x1BF5;
	p2 =	por !p2, p0  }
0x20: {  	[sflag:s8] =	ssyncset.s32 @!p0 $0xFFFFF086;
	s6 =	sadd.s32 @!p0 s3, s7;
	s7 =	simm.s32 @!p0 $0x108  }
0x21: {  	s3 =	sadd.s32 s3, s9;
	s6 =	sadd.s32 @!p0 $0x88, s6;
	s7 =	simm.s32 @p2 $0x1082  }
0x22: {  	[simem:s7], [sflag:s8] =	dma.local @!p0 [hbm:s6], $0xF7A  }
0x23: {  	s9 =	sor.u32 $0xD0000000, s2;
	s6 =	simm.s32 $0x108;
	_ =	swait.ge @!p0 [sflag:s8], $0x0  }
0x24: {  	s3 =	sadd.s32 $0x88, s3;
	s6 =	simm.s32 @!p1 $0x1082;
	[sflag:s4] =	ssyncset.s32 $0xFFFFF086  }
0x25: {  	[simem:s6], [sflag:s4] =	dma.local [hbm:s3], $0xF7A  }
0x26: {  	[smem:$0x3F90] =	sst s1;
	(tag) =	ssettag s2;
	_ =	strace s9  }
0x27: {  	s1 =	sld [smem:$0x3FA0]  }
0x28: {  	s2 =	sld [smem:$0x3FA1]  }
0x29: {  	s4 =	sld [smem:$0x3FA3]  }
0x2a: {  	p0 =	seq.s32 s5, $0x0;
	s5 =	sld [smem:$0x3FA4]  }
0x2b: {  	s6 =	sld [smem:$0x3FA5]  }
0x2c: {  	s7 =	sld [smem:$0x3FA6]  }
0x2d: {  	s3 =	simm.s32 $0x108;
	s8 =	sld [smem:$0x3FA7]  }
0x2e: {  	s3 =	simm.s32 @!p0 $0x1082;
	s9 =	sld [smem:$0x3FA8]  }
0x2f: {  	lr =	sadd.s32 s0, s3;
	s0 =	sld [smem:$0x3F9F]  }
0x30: {  	s3 =	sld [smem:$0x3FA2]  }
0x31: {  	[smem:$0x3FAB] =	sst s10  }
0x32: {  	s10 =	sld [smem:$0x3FA9];
	_ =	sdelay $0x3  }
0x33: {  	p0 =	seq.s32 s10, $0x1;
	s10 =	sld [smem:$0x3FAB];
	_ =	sdelay $0x3  }
0x34: {  	[smem:$0x3FAB] =	sst s10  }
0x35: {  	s10 =	sld [smem:$0x3FAA];
	_ =	sdelay $0x3  }
0x36: {  	p1 =	seq.s32 s10, $0x1;
	s10 =	sld [smem:$0x3FAB];
	_ =	sdelay $0x3  }
0x37: {  	[smem:$0x3FAB] =	sst s10  }
0x38: {  	s10 =	sld [smem:$0x3FAC]  }
0x39: {  	_ = 	snop;
	(pc) =	sbr.ind lr, $3  }
0x3a: {  	_ = 	snop  }
0x3b: {  	_ = 	snop  }
0x3c: {  	p2 =	seq.s32 s10, $0x1;
	s10 =	sld [smem:$0x3FAB]  }
0x3d: {  	_ =	shalt  }
0x3e: {  	_ =	shalt  }
0x3f: {  	_ =	shalt  }
0x40: {  	_ =	shalt  }
0x41: {  	_ =	shalt  }
0x42: {  	_ =	shalt  }
0x43: {  	_ =	shalt  }
0x44: {  	_ =	shalt  }
0x45: {  	_ =	shalt  }
0x46: {  	_ =	shalt  }
0x47: {  	_ =	shalt  }
0x48: {  	_ =	shalt  }
0x49: {  	_ =	shalt  }
0x4a: {  	_ =	shalt  }
0x4b: {  	_ =	shalt  }
0x4c: {  	_ =	shalt  }
0x4d: {  	_ =	shalt  }
0x4e: {  	_ =	shalt  }
0x4f: {  	_ =	shalt  }
0x50: {  	_ =	shalt  }
0x51: {  	_ =	shalt  }
0x52: {  	_ =	shalt  }
0x53: {  	_ =	shalt  }
0x54: {  	_ =	shalt  }
0x55: {  	_ =	shalt  }
0x56: {  	_ =	shalt  }
0x57: {  	_ =	shalt  }
0x58: {  	_ =	shalt  }
0x59: {  	_ =	shalt  }
0x5a: {  	_ =	shalt  }
0x5b: {  	_ =	shalt  }
0x5c: {  	_ =	shalt  }
0x5d: {  	_ =	shalt  }
0x5e: {  	_ =	shalt  }
0x5f: {  	_ =	shalt  }
0x60: {  	_ =	shalt  }
0x61: {  	_ =	shalt  }
0x62: {  	_ =	shalt  }
0x63: {  	_ =	shalt  }
0x64: {  	_ =	shalt  }
0x65: {  	_ =	shalt  }
0x66: {  	_ =	shalt  }
0x67: {  	_ =	shalt  }
0x68: {  	_ =	shalt  }
0x69: {  	_ =	shalt  }
0x6a: {  	_ =	shalt  }
0x6b: {  	_ =	shalt  }
0x6c: {  	_ =	shalt  }
0x6d: {  	_ =	shalt  }
0x6e: {  	_ =	shalt  }
0x6f: {  	_ =	shalt  }
0x70: {  	_ =	shalt  }
0x71: {  	_ =	shalt  }
0x72: {  	_ =	shalt  }
0x73: {  	_ =	shalt  }
0x74: {  	_ =	shalt  }
0x75: {  	_ =	shalt  }
0x76: {  	_ =	shalt  }
0x77: {  	_ =	shalt  }
0x78: {  	_ =	shalt  }
0x79: {  	_ =	shalt  }
0x7a: {  	_ =	shalt  }
0x7b: {  	_ =	shalt  }
0x7c: {  	_ =	shalt  }
0x7d: {  	_ =	shalt  }
0x7e: {  	_ =	shalt  }
0x7f: {  	_ =	shalt  }
0x80: {  	_ =	shalt  }
0x81: {  	_ =	shalt  }
0x82: {  	_ =	shalt  }
0x83: {  	_ =	shalt  }
0x84: {  	_ =	shalt  }
0x85: {  	_ =	shalt  }
0x86: {  	_ =	shalt  }
0x87: {  	_ =	shalt  }
.Lfunc_end0:
.L_simem_size_0:
called_computation.1_lowered:
.L_overlay_start_0:
0x88: {  	s2 =	sld [smem:$0x3FD9]  }
0x89: {  	s3 =	sld [smem:$0x3FFE];
	_ =	sdelay $0x1  }
0x8a: {  	s1 =	srdreg.scid  }
0x8b: {  	s0 =	sand.u32 $0x1, s1  }
0x8c: {  	s16 =	sshll.u32 s0, $0xA;
	s2 =	sadd.s32 s3, s2  }
0x8d: {  	s2 =	sadd.s32 s2, s16  }
0x8e: {  	[smem:$0x3FB7] =	sst s2  }
0x8f: {  	_ = 	snop  }
0x90: {  	(tm) =	ssettm $0x1  }
0x91: {  	s17 =	sld [smem:$0x3FFB];
	_ =	sdelay $0x3  }
0x92: {  	_ =	strace s17  }
0x93: {  	s2 =	sld [smem:$0x3FFC];
	_ =	sdelay $0x3  }
0x94: {  	_ =	strace s2  }
0x95: {  	s2 =	sld [smem:$0x3FFD];
	_ =	sdelay $0x3  }
0x96: {  	_ =	strace s2  }
0x97: {  	_ =	strace $0x8FFFFFFF  }
0x98: {  	s18 =	sld [smem:$0x3FDB];
	_ =	sdelay $0x1  }
0x99: {  	s19 =	simm.s32 $_scs_section_size  }
0x9a: {  	s4 =	simm.s32 $_size__tile_overlayer_lowered;
	s5 =	simm.s32 $_tile_overlayer_lowered  }
0x9b: {  	s22 =	simm.s32 $0x1BFF;
	s21 =	sshll.u32 s5, $0x1;
	s2 =	sadd.s32 s19, s18  }
0x9c: {  	s6 =	simm.s32 $0x0;
	s20 =	sshll.u32 s4, $0x1;
	s4 =	sadd.s32 s21, s2  }
0x9d: {  	[timem:s6], [sflag:s22] =	dma.local [hbm:s4], s20  }
0x9e: {  	_ =	swait.ge [sflag:s22], s20  }
0x9f: {  	s3 =	ssub.s32 $0x0, s20;
	[sflag:s22] =	ssyncset.done $0x0  }
0xa0: {  	[sflag:s22] =	ssyncadd.s32 s3;
	_ =	sdelay $0x1  }
0xa1: {  	s23 =	simm.s32 $0x1B8B  }
0xa2: {  	_ =	swait.ge [sflag:s23], $0x1  }
0xa3: {  	[sflag:s23] =	ssyncset.done $0x0  }
0xa4: {  	s25 =	simm.s32 $0x1B8E;
	s24 =	sld [smem:$0x3FFE];
	[sflag:s23] =	ssyncadd.s32 $0xFFFFFFFF  }
0xa5: {  	s26 =	simm.s32 $execute0_lowered;
	[smem:$0x3FD2] =	sst s25  }
0xa6: {  	s4 =	sshll.u32 s26, $0x1;
	_ =	strace $0x80000049;
	[dreg:$0x1] =	wrdreg $0xFFFFFFFF  }
0xa7: {  	s28 =	simm.s32 $_size_execute0_lowered;
	s2 =	sadd.s32 s2, s4;
	[dreg:$0x0] =	wrdreg $0x0  }
0xa8: {  	s4 =	sshll.u32 s28, $0x1;
	[dreg:$0x2] =	wrdreg s2  }
0xa9: {  	[dreg:$0x3] =	wrdreg s4  }
0xaa: {  	[dreg:$0x4] =	wrdreg $0xC0  }
0xab: {  	_ =	task [dreg:s6], $0x5FFFF  }
0xac: {  	[dreg:$0x1] =	wrdreg $0xFFFFFFFF  }
0xad: {  	[dreg:$0x0] =	wrdreg $0x60  }
0xae: {  	[dreg:$0x2] =	wrdreg s24  }
0xaf: {  	[dreg:$0x3] =	wrdreg $0x0  }
0xb0: {  	[dreg:$0x4] =	wrdreg $0x9  }
0xb1: {  	_ =	task.clear_ibuf [dreg:s6], $0x5FFFF;
	_ =	strace $0x90000049  }
0xb2: {  	s29 =	simm.s32 $0x9;
	_ =	strace $0x8000004B  }
0xb3: {  	_ =	swait.ge [sflag:s29], $0x1  }
0xb4: {  	[sflag:s29] =	ssyncadd.s32 $0xFFFFFFFF  }
0xb5: {  	_ =	strace $0x9000004B  }
0xb6: {  	_ =	sfence  }
0xb7: {  	s30 =	sld [smem:$0x0];
	_ =	sdelay $0x2  }
0xb8: {  	s31 =	sshll.u32 s1, $0xD;
	s1 =	sshrl.u32 s1, $0x2  }
0xb9: {  	s3 =	sand.u32 $0x4000, s31;
	s1 =	sadd.s32 s1, s30  }
0xba: {  	s0 =	sor.u32 s3, s0;
	s1 =	sshll.u32 s1, $0x11  }
0xbb: {  	s0 =	sor.u32 s1, s0  }
0xbc: {  	s0 =	sadd.s32 $0x8F2B, s0  }
0xbd: {  	[sflag:s0] =	ssyncadd.remote.s32 $0x1  }
0xbe: {  	_ =	sfence.sel $0xFFFF  }
0xbf: {  	[dreg:$0x0] =	wrdreg $0xFFFFFFFF;
	(pc) =	sbr.abs _section_cstart, $3  }
0xc0: {  	[dreg:$0x1] =	wrdreg $0xFFFFFFFF  }
0xc1: {  	_ =	task.clear_ibuf [dreg:s6], $0x2FFFF;
	_ =	strace $0x9FFFFFFF  }
0xc2: {  	(tm) =	ssettm $0x7FFFFFFF  }
0xc3: {  	_ =	shalt  }
tec
execute0_lowered:
.L_overlay_start_1:
0x0: {  	(tag) =	ssettag $0x1  }
0x1: {  	s0 =	rddreg [dreg:$0x0]  }
0x2: {  	s2 =	rddreg [dreg:$0x1]  }
0x3: {  	s1 =	srdreg.scid;
	s9 =	stileid.u32;
	s3 =	simm.s32 $0x0  }
0x4: {  	s13 =	simm.s32 $0x27;
	s16 =	simm.s32 $0x14000;
	s17 =	simm.s32 $0x4  }
0x5: {  	s18 =	simm.s32 $0x15400;
	s19 =	simm.s32 $0x3;
	s20 =	simm.s32 $0x80  }
0x6: {  	s21 =	simm.s32 $0x16800;
	s22 =	simm.s32 $0x1A800;
	s23 =	simm.s32 $0x1  }
0x7: {  	s30 =	simm.s32 $0x0;
	s1 =	sand.u32 $0x1, s1;
	s5 =	smul.u32 $0x14000, s9  }
0x8: {  	[smem:$0x7FF] =	sst s3;
	s4 =	sadd.s32 $0x18C00, s0;
	s8 =	smul.u32 $0x50000, s9  }
0x9: {  	s10 =	sadd.s32 $0xEC00, s0;
	s11 =	sadd.s32 $0x4C00, s0;
	s6 =	smul.u32 $0x140000, s1  }
0xa: {  	_ =	strace $0x8000004A;
	s7 =	sshll.u32 s1, $0x4;
	s1 =	ssub.s32 $0x2, s1  }
0xb: {  	s25 =	sor.u32 s9, s7;
	s24 =	sshrl.u32 s1, $0x1;
	s26 =	sshrl.u32 s8, $0x2  }
0xc: {  	s29 =	sshrl.u32 s5, $0x3;
	s6 =	sadd.s32 s5, s6;
	s28 =	smul.u32 $0x2800, s25  }
0xd: {  	s1 =	ssub.s32 s1, s24;
	p0 =	slt.u32 s25, $0x4;
	s15 =	sadd.s32 s26, s2  }
0xe: {  	s5 =	sshll.u32 s9, $0x6;
	s24 =	simm.s32 $0x5;
	s6 =	sshrl.u32 s6, $0x3  }
0xf: {  	s7 =	sor.u32 $0x1C03, s5;
	s14 =	smax.u32 s1, $0x1;
	s13 =	simm.s32 @!p0 $0x26  }
0x10: {  	s15 =	sshrl.u32 s15, $0x3;
	p0 =	sgt.u32 s25, $0x3;
	s25 =	simm.s32 $0x2  }
0x11: {  	s0 =	sadd.s32 s6, s0;
	s31 =	sshrl.u32 s28, $0x3;
	s6 =	sadd.s32 s4, s29  }
0x12: {  	s12 =	sadd.s32 $0x280, s31;
	s8 =	sadd.s32 s10, s31;
	s9 =	sadd.s32 s11, s31  }
0x13: {  	s10 =	sadd.s32 s10, s12;
	s11 =	sadd.s32 s11, s12;
	s12 =	sadd.s32 $0x40C00, s0  }
.LBB2_1:
0x14: {  	[spmem:s15], [sflag:s7] =	dma.local [hbm:s6], $0x2800  }
0x15: {  	[tilespmem:s16], [sflag:$0x4] =	stream.linear.gather [hbm4b:s8+s3], $0x1400, $0x38;
	[tilespmem:$0x1E800] =	vst v63  }
0x16: {  	_ =	swait.ge [sflag:s17], $0x1400  }
0x17: {  	[sflag:s17] =	ssyncset.done $0x0  }
0x18: {  	[sflag:s17] =	ssyncadd.s32 $0xFFFFEC00  }
0x19: {  	[tilespmem:s18], [sflag:$0x4] =	stream.linear.gather [hbm4b:s9+s3], $0x1400, $0x38;
	[tilespmem:$0x1E800] =	vst v63  }
0x1a: {  	_ =	swait.ge [sflag:s17], $0x1400  }
0x1b: {  	[sflag:s17] =	ssyncset.done $0x0  }
0x1c: {  	[sflag:s17] =	ssyncadd.s32 $0xFFFFEC00  }
0x1d: {  	_ =	swait.ge [sflag:s19], $0x2800  }
0x1e: {  	[sflag:s19] =	ssyncset.done $0x0  }
0x1f: {  	[sflag:s19] =	ssyncadd.s32 $0xFFFFD800  }
0x20: {  	[bflag:$0x0] =	sbarrier.arrive $0xFFFF  }
0x21: {  	[tilespmem:s21], [sflag:$0x1] =	stream.indirect.gather [hbm4b:s4+s20], $0x80, s16, s20, $0xb8;
	[tilespmem:$0x1E800] =	vst v63  }
0x22: {  	s0 =	simm.s32 $0x14080  }
0x23: {  	[tilespmem:s22], [sflag:$0x2] =	stream.indirect.gather [hbm4b:s4+s20], $0x80, s0, s20, $0xb8;
	[tilespmem:$0x1E800] =	vst v63  }
0x24: {  	_ =	swait.ge [sflag:s23], $0x4000  }
0x25: {  	[sflag:s23] =	ssyncset.done $0x0  }
0x26: {  	s26 =	simm.s32 $0x15400;
	[sflag:s23] =	ssyncadd.s32 $0xFFFFC000  }
0x27: {  	[spmem:s2] =	stream.indirect.scatter.add.f32 [tilespmem:s21], [sflag:$0x5], $0x80, s26, s20, $0xb8;
	[tilespmem:$0x1E800] =	vst v63  }
0x28: {  	_ =	swait.ge [sflag:s24], $0x4000  }
0x29: {  	[sflag:s24] =	ssyncset.done $0x0  }
0x2a: {  	s28 =	simm.s32 $0x14100;
	[sflag:s24] =	ssyncadd.s32 $0xFFFFC000  }
0x2b: {  	[tilespmem:s21], [sflag:$0x1] =	stream.indirect.gather [hbm4b:s4+s20], $0x80, s28, s20, $0xb8;
	[tilespmem:$0x1E800] =	vst v63  }
0x2c: {  	_ =	swait.ge [sflag:s25], $0x4000  }
0x2d: {  	[sflag:s25] =	ssyncset.done $0x0  }
0x2e: {  	s29 =	simm.s32 $0x15480;
	[sflag:s25] =	ssyncadd.s32 $0xFFFFC000  }
0x2f: {  	[spmem:s2] =	stream.indirect.scatter.add.f32 [tilespmem:s22], [sflag:$0x4], $0x80, s29, s20, $0xb8;
	[tilespmem:$0x1E800] =	vst v63  }
0x30: {  	_ =	swait.ge [sflag:s17], $0x4000  }
0x31: {  	s31 =	simm.s32 $0x100;
	s0 =	simm.s32 $0x800;
	[sflag:s17] =	ssyncset.done $0x0  }
.LBB2_2:
0x32: {  	s1 =	sadd.s32 $0x14080, s31  }
0x33: {  	[sflag:s17] =	ssyncadd.s32 $0xFFFFC000;
	s26 =	smov.u32 s0;
	s28 =	sadd.s32 $0x400, s0  }
0x34: {  	[tilespmem:s22], [sflag:$0x2] =	stream.indirect.gather [hbm4b:s4+s20], $0x80, s1, s20, $0xb8;
	[tilespmem:$0x1E800] =	vst v63  }
0x35: {  	p1 =	sne.s32 s0, $0x4800;
	_ =	swait.ge [sflag:s23], $0x4000  }
0x36: {  	[sflag:s23] =	ssyncset.done $0x0  }
0x37: {  	s0 =	sadd.s32 $0x15400, s31;
	[sflag:s23] =	ssyncadd.s32 $0xFFFFC000  }
0x38: {  	[spmem:s2] =	stream.indirect.scatter.add.f32 [tilespmem:s21], [sflag:$0x5], $0x80, s0, s20, $0xb8;
	[tilespmem:$0x1E800] =	vst v63  }
0x39: {  	_ =	swait.ge [sflag:s24], $0x4000  }
0x3a: {  	[sflag:s24] =	ssyncset.done $0x0  }
0x3b: {  	s0 =	sadd.s32 $0x14100, s31;
	[sflag:s24] =	ssyncadd.s32 $0xFFFFC000  }
0x3c: {  	[tilespmem:s21], [sflag:$0x1] =	stream.indirect.gather [hbm4b:s4+s20], $0x80, s0, s20, $0xb8;
	[tilespmem:$0x1E800] =	vst v63  }
0x3d: {  	_ =	swait.ge [sflag:s25], $0x4000  }
.Ltmp0:
0x3e: {  	[sflag:s25] =	ssyncset.done $0x0;
	(pc) =	sbr.rel @p1 .LBB2_2-.Ltmp0, $4  }
0x3f: {  	s0 =	sadd.s32 $0x15480, s31;
	[sflag:s25] =	ssyncadd.s32 $0xFFFFC000  }
0x40: {  	[spmem:s2] =	stream.indirect.scatter.add.f32 [tilespmem:s22], [sflag:$0x4], $0x80, s0, s20, $0xb8;
	[tilespmem:$0x1E800] =	vst v63  }
0x41: {  	_ =	swait.ge [sflag:s17], $0x4000  }
0x42: {  	s31 =	sshra.s32 s26, $0x2;
	s0 =	smov.u32 s28;
	[sflag:s17] =	ssyncset.done $0x0  }
0x43: {  	s0 =	sadd.s32 $0x14080, s31;
	[sflag:s17] =	ssyncadd.s32 $0xFFFFC000  }
0x44: {  	[tilespmem:s22], [sflag:$0x2] =	stream.indirect.gather [hbm4b:s4+s20], $0x80, s0, s20, $0xb8;
	[tilespmem:$0x1E800] =	vst v63  }
0x45: {  	_ =	swait.ge [sflag:s23], $0x4000  }
0x46: {  	[sflag:s23] =	ssyncset.done $0x0  }
0x47: {  	s29 =	sadd.s32 $0x15400, s31;
	[sflag:s23] =	ssyncadd.s32 $0xFFFFC000  }
0x48: {  	[spmem:s2] =	stream.indirect.scatter.add.f32 [tilespmem:s21], [sflag:$0x5], $0x80, s29, s20, $0xb8;
	[tilespmem:$0x1E800] =	vst v63  }
0x49: {  	_ =	swait.ge [sflag:s24], $0x4000  }
0x4a: {  	[sflag:s24] =	ssyncset.done $0x0  }
0x4b: {  	s1 =	sadd.s32 $0x14100, s31;
	[sflag:s24] =	ssyncadd.s32 $0xFFFFC000  }
0x4c: {  	[tilespmem:s21], [sflag:$0x1] =	stream.indirect.gather [hbm4b:s4+s20], $0x80, s1, s20, $0xb8;
	[tilespmem:$0x1E800] =	vst v63  }
0x4d: {  	_ =	swait.ge [sflag:s25], $0x4000  }
0x4e: {  	[sflag:s25] =	ssyncset.done $0x0  }
0x4f: {  	s26 =	sadd.s32 $0x15480, s31;
	[sflag:s25] =	ssyncadd.s32 $0xFFFFC000  }
0x50: {  	[spmem:s2] =	stream.indirect.scatter.add.f32 [tilespmem:s22], [sflag:$0x4], $0x80, s26, s20, $0xb8;
	[tilespmem:$0x1E800] =	vst v63  }
0x51: {  	_ =	swait.ge [sflag:s17], $0x4000  }
0x52: {  	[sflag:s17] =	ssyncset.done $0x0  }
0x53: {  	s28 =	simm.s32 $0x15380;
	[sflag:s17] =	ssyncadd.s32 $0xFFFFC000  }
0x54: {  	[tilespmem:s22], [sflag:$0x2] =	stream.indirect.gather [hbm4b:s4+s20], $0x80, s28, s20, $0xb8;
	[tilespmem:$0x1E800] =	vst v63  }
0x55: {  	_ =	swait.ge [sflag:s23], $0x4000  }
0x56: {  	[sflag:s23] =	ssyncset.done $0x0  }
0x57: {  	s29 =	simm.s32 $0x16700;
	[sflag:s23] =	ssyncadd.s32 $0xFFFFC000  }
0x58: {  	[spmem:s2] =	stream.indirect.scatter.add.f32 [tilespmem:s21], [sflag:$0x5], $0x80, s29, s20, $0xb8;
	[tilespmem:$0x1E800] =	vst v63  }
0x59: {  	_ =	swait.ge [sflag:s24], $0x4000  }
0x5a: {  	[sflag:s24] =	ssyncset.done $0x0  }
0x5b: {  	s1 =	simm.s32 $0x2;
	[sflag:s24] =	ssyncadd.s32 $0xFFFFC000  }
0x5c: {  	_ =	swait.ge [sflag:s1], $0x4000  }
0x5d: {  	[sflag:s1] =	ssyncset.done $0x0  }
0x5e: {  	s26 =	simm.s32 $0x16780;
	[sflag:s1] =	ssyncadd.s32 $0xFFFFC000  }
0x5f: {  	[spmem:s2] =	stream.indirect.scatter.add.f32 [tilespmem:s22], [sflag:$0x4], $0x80, s26, s20, $0xb8;
	[tilespmem:$0x1E800] =	vst v63  }
0x60: {  	_ =	swait.ge [sflag:s17], $0x4000  }
0x61: {  	[sflag:s17] =	ssyncset.done $0x0  }
0x62: {  	[sflag:s17] =	ssyncadd.s32 $0xFFFFC000  }
0x63: {  	[tilespmem:s16], [sflag:$0x4] =	stream.linear.gather [hbm4b:s10+s3], $0x1400, $0x38;
	[tilespmem:$0x1E800] =	vst v63  }
0x64: {  	_ =	swait.ge [sflag:s17], $0x1400  }
0x65: {  	[sflag:s17] =	ssyncset.done $0x0  }
0x66: {  	[sflag:s17] =	ssyncadd.s32 $0xFFFFEC00  }
0x67: {  	[tilespmem:s18], [sflag:$0x4] =	stream.linear.gather [hbm4b:s11+s3], $0x1400, $0x38;
	[tilespmem:$0x1E800] =	vst v63  }
0x68: {  	_ =	swait.ge [sflag:s17], $0x1400  }
0x69: {  	[sflag:s17] =	ssyncset.done $0x0  }
0x6a: {  	[sflag:s17] =	ssyncadd.s32 $0xFFFFEC00  }
0x6b: {  	[tilespmem:s21], [sflag:$0x1] =	stream.indirect.gather [hbm4b:s4+s20], $0x80, s16, s20, $0xb8;
	[tilespmem:$0x1E800] =	vst v63  }
0x6c: {  	s31 =	simm.s32 $0x14080  }
0x6d: {  	[tilespmem:s22], [sflag:$0x2] =	stream.indirect.gather [hbm4b:s4+s20], $0x80, s31, s20, $0xb8;
	[tilespmem:$0x1E800] =	vst v63  }
0x6e: {  	_ =	swait.ge [sflag:s23], $0x4000  }
0x6f: {  	[sflag:s23] =	ssyncset.done $0x0  }
0x70: {  	s28 =	simm.s32 $0x15400;
	[sflag:s23] =	ssyncadd.s32 $0xFFFFC000  }
0x71: {  	[spmem:s2] =	stream.indirect.scatter.add.f32 [tilespmem:s21], [sflag:$0x5], $0x80, s28, s20, $0xb8;
	[tilespmem:$0x1E800] =	vst v63  }
0x72: {  	p1 =	sle.u32 s13, $0x2;
	_ =	swait.ge [sflag:s24], $0x4000  }
0x73: {  	s0 =	simm.s32 @!p1 $0x14100;
	[sflag:s24] =	ssyncset.done $0x0  }
0x74: {  	s1 =	simm.s32 @!p1 $0x80;
	s26 =	simm.s32 @!p1 $0x16800;
	[sflag:s24] =	ssyncadd.s32 $0xFFFFC000  }
0x75: {  	[tilespmem:s26], [sflag:$0x1] =	stream.indirect.gather @!p1 [hbm4b:s4+s1], $0x80, s0, s1, $0xb8;
	[tilespmem:$0x1E800] =	vst v63  }
0x76: {  	_ =	swait.ge [sflag:s25], $0x4000  }
0x77: {  	[sflag:s25] =	ssyncset.done $0x0  }
0x78: {  	s29 =	simm.s32 $0x15480;
	[sflag:s25] =	ssyncadd.s32 $0xFFFFC000  }
0x79: {  	[spmem:s2] =	stream.indirect.scatter.add.f32 [tilespmem:s22], [sflag:$0x4], $0x80, s29, s20, $0xb8;
	[tilespmem:$0x1E800] =	vst v63  }
0x7a: {  	s0 =	simm.s32 $0x4;
	s1 =	simm.s32 $0x15580;
	_ =	swait.ge [sflag:s17], $0x4000  }
.LBB2_4:
0x7b: {  	[sflag:s17] =	ssyncset.done $0x0  }
0x7c: {  	s31 =	sadd.s32 $0x100, s31;
	s26 =	smov.u32 s0;
	s0 =	sadd.s32 $0x2, s0  }
0x7d: {  	p1 =	sne.s32 s0, $0x28;
	[sflag:s17] =	ssyncadd.s32 $0xFFFFC000  }
0x7e: {  	[tilespmem:s22], [sflag:$0x2] =	stream.indirect.gather [hbm4b:s4+s20], $0x80, s31, s20, $0xb8;
	[tilespmem:$0x1E800] =	vst v63  }
0x7f: {  	_ =	swait.ge [sflag:s23], $0x4000  }
0x80: {  	s28 =	sadd.s32 $0xFFFFFF80, s1;
	[sflag:s23] =	ssyncset.done $0x0  }
0x81: {  	[sflag:s23] =	ssyncadd.s32 $0xFFFFC000  }
0x82: {  	[spmem:s2] =	stream.indirect.scatter.add.f32 [tilespmem:s21], [sflag:$0x5], $0x80, s28, s20, $0xb8;
	[tilespmem:$0x1E800] =	vst v63  }
0x83: {  	p2 =	sge.u32 s26, s13;
	_ =	swait.ge [sflag:s24], $0x4000  }
0x84: {  	s26 =	sadd.s32 @!p2 $0x80, s31;
	s28 =	simm.s32 @!p2 $0x80;
	[sflag:s24] =	ssyncset.done $0x0  }
0x85: {  	s29 =	simm.s32 @!p2 $0x16800;
	[sflag:s24] =	ssyncadd.s32 $0xFFFFC000  }
0x86: {  	[tilespmem:s29], [sflag:$0x1] =	stream.indirect.gather @!p2 [hbm4b:s4+s28], $0x80, s26, s28, $0xb8;
	[tilespmem:$0x1E800] =	vst v63  }
.Ltmp1:
0x87: {  	_ =	swait.ge [sflag:s25], $0x4000;
	(pc) =	sbr.rel @p1 .LBB2_4-.Ltmp1, $4  }
0x88: {  	[sflag:s25] =	ssyncset.done $0x0  }
0x89: {  	[sflag:s25] =	ssyncadd.s32 $0xFFFFC000  }
0x8a: {  	[spmem:s2] =	stream.indirect.scatter.add.f32 [tilespmem:s22], [sflag:$0x4], $0x80, s1, s20, $0xb8;
	[tilespmem:$0x1E800] =	vst v63  }
0x8b: {  	s1 =	sadd.s32 $0x100, s1;
	_ =	swait.ge [sflag:s17], $0x4000  }
0x8c: {  	[sflag:s17] =	ssyncset.done $0x0  }
0x8d: {  	s0 =	simm.s32 @!p0 $0x1;
	[sflag:s17] =	ssyncadd.s32 $0xFFFFC000  }
0x8e: {  	_ =	swait.ge @!p0 [sflag:s0], $0x4000  }
0x8f: {  	s1 =	simm.s32 @!p0 $0x16700;
	[sflag:s0] =	ssyncset.done @!p0 $0x0  }
0x90: {  	s26 =	simm.s32 @!p0 $0x16800;
	[sflag:s0] =	ssyncadd.s32 @!p0 $0xFFFFC000;
	s0 =	simm.s32 @!p0 $0x80  }
0x91: {  	[spmem:s2] =	stream.indirect.scatter.add.f32 @!p0 [tilespmem:s26], [sflag:$0x5], $0x80, s1, s0, $0xb8;
	[tilespmem:$0x1E800] =	vst v63  }
0x92: {  	s0 =	simm.s32 @!p0 $0x5  }
0x93: {  	_ =	swait.ge @!p0 [sflag:s0], $0x4000  }
0x94: {  	s30 =	sadd.s32 $0x1, s30;
	[sflag:s0] =	ssyncset.done @!p0 $0x0  }
0x95: {  	p1 =	sne.s32 s30, s14;
	[sflag:s0] =	ssyncadd.s32 @!p0 $0xFFFFC000  }
.Ltmp2:
0x96: {  	s31 =	sor.u32 $0x1C04, s5;
	[bflag:$0x0] =	sbarrier.arrive $0xFFFF;
	(pc) =	sbr.rel @p1 .LBB2_1-.Ltmp2, $4  }
0x97: {  	[hbm:s12], [sflag:s31] =	dma.local [spmem:s15], $0x2800  }
0x98: {  	_ =	swait.ge [sflag:s17], $0x2800  }
0x99: {  	[sflag:s17] =	ssyncset.done $0x0  }
0x9a: {  	[sflag:s17] =	ssyncadd.s32 $0xFFFFD800  }
0x9b: {  	_ =	sfence.sel $0x180000  }
0x9c: {  	[bflag:$0x0] =	sbarrier.arrive $0xFFFF  }
0x9d: {  	_ =	strace $0x9000004A  }
0x9e: {  	s0 =	stileid.u32;
	[bflag:$0x2] =	sbarrier.arrive $0xFFFF  }
0x9f: {  	p0 =	sne.s32 s0, $0x0;
	s0 =	rddreg [dreg:$0x2]  }
0xa0: {  	s0 =	sadd.s32 @!p0 $0x100000, s0  }
0xa1: {  	[sflag:s0] =	ssyncadd.tile.s32 @!p0 $0x1;
	_ =	shalt  }
.Lfunc_end2:
_tile_overlayer_lowered:
.L_overlay_start_2:
0xa2: {  	(tag) =	ssettag $0x2  }
0xa3: {  	s0 =	rddreg [dreg:$0x0];
	s2 =	stileid.u32  }
0xa4: {  	s1 =	rddreg [dreg:$0x1];
	p0 =	sne.s32 s2, $0x0  }
0xa5: {  	s3 =	rddreg [dreg:$0x2];
	[bflag:$0x3] =	sbarrier.arrive $0xFFFF;
	s2 =	simm.s32 @!p0 $0x1C04  }
0xa6: {  	[timem:s3], [sflag:s2] =	dma.local @!p0 [hbm:s0], s1  }
0xa7: {  	s0 =	simm.s32 @!p0 $0x4  }
0xa8: {  	_ =	swait.ge @!p0 [sflag:s0], s1  }
0xa9: {  	s1 =	ssub.s32 @!p0 $0x0, s1;
	[sflag:s0] =	ssyncset.done @!p0 $0x0  }
0xaa: {  	[sflag:s0] =	ssyncadd.s32 @!p0 s1  }
0xab: {  	[bflag:$0x3] =	sbarrier.arrive $0xFFFF  }
0xac: {  	_ =	shalt  }

// kernel: kernel.14.cloned.1.call-start
scs
__scs_entry_jumppad:
0x0: {  	(pc) =	sbr.rel $0x88, $3  }
0x1: {  	(tag) =	ssettag $0x0;
	lr =	simm.s32 $0x1  }
0x2: {  	[smem:$0x3F90] =	sst lr;
	_ =	strace $0xD0000000  }
0x3: {  	_ = 	snop  }
0x4: {  	_ = 	snop  }
0x5: {  	_ = 	snop  }
0x6: {  	_ = 	snop  }
0x7: {  	_ = 	snop  }
__scs_overlays_trampoline_lowered:
0x8: {  	[smem:$0x3F9F] =	sst s0  }
0x9: {  	[smem:$0x3FA0] =	sst s1  }
0xa: {  	[smem:$0x3FA1] =	sst s2  }
0xb: {  	[smem:$0x3FA2] =	sst s3  }
0xc: {  	[smem:$0x3FA3] =	sst s4  }
0xd: {  	[smem:$0x3FA4] =	sst s5  }
0xe: {  	[smem:$0x3FA5] =	sst s6  }
0xf: {  	[smem:$0x3FA6] =	sst s7  }
0x10: {  	[smem:$0x3FA7] =	sst s8  }
0x11: {  	[smem:$0x3FA8] =	sst s9;
	s0 =	simm.s32 @!p0 $0x0  }
0x12: {  	s1 =	sld [smem:$0x3F8E];
	s0 =	simm.s32 @p0 $0x1  }
0x13: {  	[smem:$0x3FA9] =	sst s0;
	s0 =	simm.s32 @!p1 $0x0  }
0x14: {  	s2 =	sld [smem:$0x3F8D];
	s0 =	simm.s32 @p1 $0x1  }
0x15: {  	[smem:$0x3FAA] =	sst s0;
	s0 =	simm.s32 @!p2 $0x0  }
0x16: {  	s3 =	sld [smem:$0x3FDB];
	s0 =	simm.s32 @p2 $0x1  }
0x17: {  	s4 =	simm.s32 $0x1BF5;
	[smem:$0x3FAC] =	sst s0  }
0x18: {  	s0 =	sld [smem:$0x3F8F];
	_ =	swait.ge [sflag:s4], $0x0  }
0x19: {  	s7 =	sld [smem:$0x3F90]  }
0x1a: {  	s8 =	sadd.s32 $0xFFFFE003, lr  }
0x1b: {  	s9 =	sadd.s32 $0xFFFFFEF7, lr;
	s5 =	simm.s32 $0xFFFFFFFF;
	p2 =	slt.u32 s8, $0xFFFFF086  }
0x1c: {  	p1 =	slt.u32 s9, $0xF7A;
	s5 =	simm.s32 @!p2 $0x0  }
0x1d: {  	s5 =	simm.s32 @p1 $0x1;
	p0 =	seq.s32 s7, s2  }
0x1e: {  	s7 =	smul.u32 @!p0 $0xF7A, s2;
	p2 =	seq.s32 @!p0 s5, $0x0  }
0x1f: {  	s9 =	smul.u32 $0xF7A, s1;
	s8 =	simm.s32 @!p0 $0x1BF5;
	p2 =	por !p2, p0  }
0x20: {  	[sflag:s8] =	ssyncset.s32 @!p0 $0xFFFFF086;
	s6 =	sadd.s32 @!p0 s3, s7;
	s7 =	simm.s32 @!p0 $0x108  }
0x21: {  	s3 =	sadd.s32 s3, s9;
	s6 =	sadd.s32 @!p0 $0x88, s6;
	s7 =	simm.s32 @p2 $0x1082  }
0x22: {  	[simem:s7], [sflag:s8] =	dma.local @!p0 [hbm:s6], $0xF7A  }
0x23: {  	s9 =	sor.u32 $0xD0000000, s2;
	s6 =	simm.s32 $0x108;
	_ =	swait.ge @!p0 [sflag:s8], $0x0  }
0x24: {  	s3 =	sadd.s32 $0x88, s3;
	s6 =	simm.s32 @!p1 $0x1082;
	[sflag:s4] =	ssyncset.s32 $0xFFFFF086  }
0x25: {  	[simem:s6], [sflag:s4] =	dma.local [hbm:s3], $0xF7A  }
0x26: {  	[smem:$0x3F90] =	sst s1;
	(tag) =	ssettag s2;
	_ =	strace s9  }
0x27: {  	s1 =	sld [smem:$0x3FA0]  }
0x28: {  	s2 =	sld [smem:$0x3FA1]  }
0x29: {  	s4 =	sld [smem:$0x3FA3]  }
0x2a: {  	p0 =	seq.s32 s5, $0x0;
	s5 =	sld [smem:$0x3FA4]  }
0x2b: {  	s6 =	sld [smem:$0x3FA5]  }
0x2c: {  	s7 =	sld [smem:$0x3FA6]  }
0x2d: {  	s3 =	simm.s32 $0x108;
	s8 =	sld [smem:$0x3FA7]  }
0x2e: {  	s3 =	simm.s32 @!p0 $0x1082;
	s9 =	sld [smem:$0x3FA8]  }
0x2f: {  	lr =	sadd.s32 s0, s3;
	s0 =	sld [smem:$0x3F9F]  }
0x30: {  	s3 =	sld [smem:$0x3FA2]  }
0x31: {  	[smem:$0x3FAB] =	sst s10  }
0x32: {  	s10 =	sld [smem:$0x3FA9];
	_ =	sdelay $0x3  }
0x33: {  	p0 =	seq.s32 s10, $0x1;
	s10 =	sld [smem:$0x3FAB];
	_ =	sdelay $0x3  }
0x34: {  	[smem:$0x3FAB] =	sst s10  }
0x35: {  	s10 =	sld [smem:$0x3FAA];
	_ =	sdelay $0x3  }
0x36: {  	p1 =	seq.s32 s10, $0x1;
	s10 =	sld [smem:$0x3FAB];
	_ =	sdelay $0x3  }
0x37: {  	[smem:$0x3FAB] =	sst s10  }
0x38: {  	s10 =	sld [smem:$0x3FAC]  }
0x39: {  	_ = 	snop;
	(pc) =	sbr.ind lr, $3  }
0x3a: {  	_ = 	snop  }
0x3b: {  	_ = 	snop  }
0x3c: {  	p2 =	seq.s32 s10, $0x1;
	s10 =	sld [smem:$0x3FAB]  }
0x3d: {  	_ =	shalt  }
0x3e: {  	_ =	shalt  }
0x3f: {  	_ =	shalt  }
0x40: {  	_ =	shalt  }
0x41: {  	_ =	shalt  }
0x42: {  	_ =	shalt  }
0x43: {  	_ =	shalt  }
0x44: {  	_ =	shalt  }
0x45: {  	_ =	shalt  }
0x46: {  	_ =	shalt  }
0x47: {  	_ =	shalt  }
0x48: {  	_ =	shalt  }
0x49: {  	_ =	shalt  }
0x4a: {  	_ =	shalt  }
0x4b: {  	_ =	shalt  }
0x4c: {  	_ =	shalt  }
0x4d: {  	_ =	shalt  }
0x4e: {  	_ =	shalt  }
0x4f: {  	_ =	shalt  }
0x50: {  	_ =	shalt  }
0x51: {  	_ =	shalt  }
0x52: {  	_ =	shalt  }
0x53: {  	_ =	shalt  }
0x54: {  	_ =	shalt  }
0x55: {  	_ =	shalt  }
0x56: {  	_ =	shalt  }
0x57: {  	_ =	shalt  }
0x58: {  	_ =	shalt  }
0x59: {  	_ =	shalt  }
0x5a: {  	_ =	shalt  }
0x5b: {  	_ =	shalt  }
0x5c: {  	_ =	shalt  }
0x5d: {  	_ =	shalt  }
0x5e: {  	_ =	shalt  }
0x5f: {  	_ =	shalt  }
0x60: {  	_ =	shalt  }
0x61: {  	_ =	shalt  }
0x62: {  	_ =	shalt  }
0x63: {  	_ =	shalt  }
0x64: {  	_ =	shalt  }
0x65: {  	_ =	shalt  }
0x66: {  	_ =	shalt  }
0x67: {  	_ =	shalt  }
0x68: {  	_ =	shalt  }
0x69: {  	_ =	shalt  }
0x6a: {  	_ =	shalt  }
0x6b: {  	_ =	shalt  }
0x6c: {  	_ =	shalt  }
0x6d: {  	_ =	shalt  }
0x6e: {  	_ =	shalt  }
0x6f: {  	_ =	shalt  }
0x70: {  	_ =	shalt  }
0x71: {  	_ =	shalt  }
0x72: {  	_ =	shalt  }
0x73: {  	_ =	shalt  }
0x74: {  	_ =	shalt  }
0x75: {  	_ =	shalt  }
0x76: {  	_ =	shalt  }
0x77: {  	_ =	shalt  }
0x78: {  	_ =	shalt  }
0x79: {  	_ =	shalt  }
0x7a: {  	_ =	shalt  }
0x7b: {  	_ =	shalt  }
0x7c: {  	_ =	shalt  }
0x7d: {  	_ =	shalt  }
0x7e: {  	_ =	shalt  }
0x7f: {  	_ =	shalt  }
0x80: {  	_ =	shalt  }
0x81: {  	_ =	shalt  }
0x82: {  	_ =	shalt  }
0x83: {  	_ =	shalt  }
0x84: {  	_ =	shalt  }
0x85: {  	_ =	shalt  }
0x86: {  	_ =	shalt  }
0x87: {  	_ =	shalt  }
.Lfunc_end0:
.L_simem_size_0:
called_computation.2_lowered:
.L_overlay_start_0:
0x88: {  	s2 =	sld [smem:$0x3FD9]  }
0x89: {  	s3 =	sld [smem:$0x3FFE];
	_ =	sdelay $0x1  }
0x8a: {  	s1 =	srdreg.scid  }
0x8b: {  	s0 =	sand.u32 $0x1, s1  }
0x8c: {  	s16 =	sshll.u32 s0, $0xA;
	s2 =	sadd.s32 s3, s2  }
0x8d: {  	s2 =	sadd.s32 s2, s16  }
0x8e: {  	[smem:$0x3FB7] =	sst s2  }
0x8f: {  	_ = 	snop  }
0x90: {  	(tm) =	ssettm $0x1  }
0x91: {  	s17 =	sld [smem:$0x3FFB];
	_ =	sdelay $0x3  }
0x92: {  	_ =	strace s17  }
0x93: {  	s2 =	sld [smem:$0x3FFC];
	_ =	sdelay $0x3  }
0x94: {  	_ =	strace s2  }
0x95: {  	s2 =	sld [smem:$0x3FFD];
	_ =	sdelay $0x3  }
0x96: {  	_ =	strace s2  }
0x97: {  	_ =	strace $0x8FFFFFFF  }
0x98: {  	s18 =	sld [smem:$0x3FDB];
	_ =	sdelay $0x1  }
0x99: {  	s19 =	simm.s32 $_scs_section_size  }
0x9a: {  	s4 =	simm.s32 $_size__tile_overlayer_lowered;
	s5 =	simm.s32 $_tile_overlayer_lowered  }
0x9b: {  	s22 =	simm.s32 $0x1BFF;
	s21 =	sshll.u32 s5, $0x1;
	s2 =	sadd.s32 s19, s18  }
0x9c: {  	s6 =	simm.s32 $0x0;
	s20 =	sshll.u32 s4, $0x1;
	s4 =	sadd.s32 s21, s2  }
0x9d: {  	[timem:s6], [sflag:s22] =	dma.local [hbm:s4], s20  }
0x9e: {  	_ =	swait.ge [sflag:s22], s20  }
0x9f: {  	s3 =	ssub.s32 $0x0, s20;
	[sflag:s22] =	ssyncset.done $0x0  }
0xa0: {  	[sflag:s22] =	ssyncadd.s32 s3;
	_ =	sdelay $0x1  }
0xa1: {  	s23 =	simm.s32 $0x1B8B  }
0xa2: {  	_ =	swait.ge [sflag:s23], $0x1  }
0xa3: {  	[sflag:s23] =	ssyncset.done $0x0  }
0xa4: {  	s25 =	simm.s32 $0x1B8E;
	s24 =	sld [smem:$0x3FFE];
	[sflag:s23] =	ssyncadd.s32 $0xFFFFFFFF  }
0xa5: {  	s26 =	simm.s32 $execute0_lowered;
	[smem:$0x3FD2] =	sst s25  }
0xa6: {  	s4 =	sshll.u32 s26, $0x1;
	_ =	strace $0x8000004C;
	[dreg:$0x1] =	wrdreg $0xFFFFFFFF  }
0xa7: {  	s28 =	simm.s32 $_size_execute0_lowered;
	s2 =	sadd.s32 s2, s4;
	[dreg:$0x0] =	wrdreg $0x0  }
0xa8: {  	s4 =	sshll.u32 s28, $0x1;
	[dreg:$0x2] =	wrdreg s2  }
0xa9: {  	[dreg:$0x3] =	wrdreg s4  }
0xaa: {  	[dreg:$0x4] =	wrdreg $0xC0  }
0xab: {  	_ =	task [dreg:s6], $0x5FFFF  }
0xac: {  	[dreg:$0x1] =	wrdreg $0xFFFFFFFF  }
0xad: {  	[dreg:$0x0] =	wrdreg $0x60  }
0xae: {  	[dreg:$0x2] =	wrdreg s24  }
0xaf: {  	[dreg:$0x3] =	wrdreg $0x0  }
0xb0: {  	[dreg:$0x4] =	wrdreg $0x9  }
0xb1: {  	_ =	task.clear_ibuf [dreg:s6], $0x5FFFF;
	_ =	strace $0x9000004C  }
0xb2: {  	s29 =	simm.s32 $0x9;
	_ =	strace $0x8000004E  }
0xb3: {  	_ =	swait.ge [sflag:s29], $0x1  }
0xb4: {  	[sflag:s29] =	ssyncadd.s32 $0xFFFFFFFF  }
0xb5: {  	_ =	strace $0x9000004E  }
0xb6: {  	_ =	sfence  }
0xb7: {  	s30 =	sld [smem:$0x0];
	_ =	sdelay $0x2  }
0xb8: {  	s31 =	sshll.u32 s1, $0xD;
	s1 =	sshrl.u32 s1, $0x2  }
0xb9: {  	s3 =	sand.u32 $0x4000, s31;
	s1 =	sadd.s32 s1, s30  }
0xba: {  	s0 =	sor.u32 s3, s0;
	s1 =	sshll.u32 s1, $0x11  }
0xbb: {  	s0 =	sor.u32 s1, s0  }
0xbc: {  	s0 =	sadd.s32 $0x8F2B, s0  }
0xbd: {  	[sflag:s0] =	ssyncadd.remote.s32 $0x1  }
0xbe: {  	_ =	sfence.sel $0xFFFF  }
0xbf: {  	[dreg:$0x0] =	wrdreg $0xFFFFFFFF;
	(pc) =	sbr.abs _section_cstart, $3  }
0xc0: {  	[dreg:$0x1] =	wrdreg $0xFFFFFFFF  }
0xc1: {  	_ =	task.clear_ibuf [dreg:s6], $0x2FFFF;
	_ =	strace $0x9FFFFFFF  }
0xc2: {  	(tm) =	ssettm $0x7FFFFFFF  }
0xc3: {  	_ =	shalt  }
tec
execute0_lowered:
.L_overlay_start_1:
0x0: {  	(tag) =	ssettag $0x1  }
0x1: {  	s0 =	rddreg [dreg:$0x0]  }
0x2: {  	s2 =	rddreg [dreg:$0x1]  }
0x3: {  	s1 =	srdreg.scid;
	s9 =	stileid.u32;
	s3 =	simm.s32 $0x0  }
0x4: {  	s13 =	simm.s32 $0x27;
	s16 =	simm.s32 $0x14000;
	s17 =	simm.s32 $0x4  }
0x5: {  	s18 =	simm.s32 $0x15400;
	s19 =	simm.s32 $0x3;
	s20 =	simm.s32 $0x80  }
0x6: {  	s21 =	simm.s32 $0x16800;
	s22 =	simm.s32 $0x1A800;
	s23 =	simm.s32 $0x1  }
0x7: {  	s30 =	simm.s32 $0x0;
	s1 =	sand.u32 $0x1, s1;
	s5 =	smul.u32 $0x14000, s9  }
0x8: {  	[smem:$0x7FF] =	sst s3;
	s4 =	sadd.s32 $0x18C00, s0;
	s8 =	smul.u32 $0x50000, s9  }
0x9: {  	s10 =	sadd.s32 $0xEC00, s0;
	s11 =	sadd.s32 $0x4C00, s0;
	s6 =	smul.u32 $0x140000, s1  }
0xa: {  	_ =	strace $0x8000004D;
	s7 =	sshll.u32 s1, $0x4;
	s1 =	ssub.s32 $0x2, s1  }
0xb: {  	s25 =	sor.u32 s9, s7;
	s24 =	sshrl.u32 s1, $0x1;
	s26 =	sshrl.u32 s8, $0x2  }
0xc: {  	s29 =	sshrl.u32 s5, $0x3;
	s6 =	sadd.s32 s5, s6;
	s28 =	smul.u32 $0x2800, s25  }
0xd: {  	s1 =	ssub.s32 s1, s24;
	p0 =	slt.u32 s25, $0x4;
	s15 =	sadd.s32 s26, s2  }
0xe: {  	s5 =	sshll.u32 s9, $0x6;
	s24 =	simm.s32 $0x5;
	s6 =	sshrl.u32 s6, $0x3  }
0xf: {  	s7 =	sor.u32 $0x1C03, s5;
	s14 =	smax.u32 s1, $0x1;
	s13 =	simm.s32 @!p0 $0x26  }
0x10: {  	s15 =	sshrl.u32 s15, $0x3;
	p0 =	sgt.u32 s25, $0x3;
	s25 =	simm.s32 $0x2  }
0x11: {  	s0 =	sadd.s32 s6, s0;
	s31 =	sshrl.u32 s28, $0x3;
	s6 =	sadd.s32 s4, s29  }
0x12: {  	s12 =	sadd.s32 $0x280, s31;
	s8 =	sadd.s32 s10, s31;
	s9 =	sadd.s32 s11, s31  }
0x13: {  	s10 =	sadd.s32 s10, s12;
	s11 =	sadd.s32 s11, s12;
	s12 =	sadd.s32 $0x40C00, s0  }
.LBB2_1:
0x14: {  	[spmem:s15], [sflag:s7] =	dma.local [hbm:s6], $0x2800  }
0x15: {  	[tilespmem:s16], [sflag:$0x4] =	stream.linear.gather [hbm4b:s8+s3], $0x1400, $0x38;
	[tilespmem:$0x1E800] =	vst v63  }
0x16: {  	_ =	swait.ge [sflag:s17], $0x1400  }
0x17: {  	[sflag:s17] =	ssyncset.done $0x0  }
0x18: {  	[sflag:s17] =	ssyncadd.s32 $0xFFFFEC00  }
0x19: {  	[tilespmem:s18], [sflag:$0x4] =	stream.linear.gather [hbm4b:s9+s3], $0x1400, $0x38;
	[tilespmem:$0x1E800] =	vst v63  }
0x1a: {  	_ =	swait.ge [sflag:s17], $0x1400  }
0x1b: {  	[sflag:s17] =	ssyncset.done $0x0  }
0x1c: {  	[sflag:s17] =	ssyncadd.s32 $0xFFFFEC00  }
0x1d: {  	_ =	swait.ge [sflag:s19], $0x2800  }
0x1e: {  	[sflag:s19] =	ssyncset.done $0x0  }
0x1f: {  	[sflag:s19] =	ssyncadd.s32 $0xFFFFD800  }
0x20: {  	[bflag:$0x0] =	sbarrier.arrive $0xFFFF  }
0x21: {  	[tilespmem:s21], [sflag:$0x1] =	stream.indirect.gather [hbm4b:s4+s20], $0x80, s16, s20, $0xb8;
	[tilespmem:$0x1E800] =	vst v63  }
0x22: {  	s0 =	simm.s32 $0x14080  }
0x23: {  	[tilespmem:s22], [sflag:$0x2] =	stream.indirect.gather [hbm4b:s4+s20], $0x80, s0, s20, $0xb8;
	[tilespmem:$0x1E800] =	vst v63  }
0x24: {  	_ =	swait.ge [sflag:s23], $0x4000  }
0x25: {  	[sflag:s23] =	ssyncset.done $0x0  }
0x26: {  	s26 =	simm.s32 $0x15400;
	[sflag:s23] =	ssyncadd.s32 $0xFFFFC000  }
0x27: {  	[spmem:s2] =	stream.indirect.scatter.add.f32 [tilespmem:s21], [sflag:$0x5], $0x80, s26, s20, $0xb8;
	[tilespmem:$0x1E800] =	vst v63  }
0x28: {  	_ =	swait.ge [sflag:s24], $0x4000  }
0x29: {  	[sflag:s24] =	ssyncset.done $0x0  }
0x2a: {  	s28 =	simm.s32 $0x14100;
	[sflag:s24] =	ssyncadd.s32 $0xFFFFC000  }
0x2b: {  	[tilespmem:s21], [sflag:$0x1] =	stream.indirect.gather [hbm4b:s4+s20], $0x80, s28, s20, $0xb8;
	[tilespmem:$0x1E800] =	vst v63  }
0x2c: {  	_ =	swait.ge [sflag:s25], $0x4000  }
0x2d: {  	[sflag:s25] =	ssyncset.done $0x0  }
0x2e: {  	s29 =	simm.s32 $0x15480;
	[sflag:s25] =	ssyncadd.s32 $0xFFFFC000  }
0x2f: {  	[spmem:s2] =	stream.indirect.scatter.add.f32 [tilespmem:s22], [sflag:$0x4], $0x80, s29, s20, $0xb8;
	[tilespmem:$0x1E800] =	vst v63  }
0x30: {  	_ =	swait.ge [sflag:s17], $0x4000  }
0x31: {  	s31 =	simm.s32 $0x100;
	s0 =	simm.s32 $0x800;
	[sflag:s17] =	ssyncset.done $0x0  }
.LBB2_2:
0x32: {  	s1 =	sadd.s32 $0x14080, s31  }
0x33: {  	[sflag:s17] =	ssyncadd.s32 $0xFFFFC000;
	s26 =	smov.u32 s0;
	s28 =	sadd.s32 $0x400, s0  }
0x34: {  	[tilespmem:s22], [sflag:$0x2] =	stream.indirect.gather [hbm4b:s4+s20], $0x80, s1, s20, $0xb8;
	[tilespmem:$0x1E800] =	vst v63  }
0x35: {  	p1 =	sne.s32 s0, $0x4800;
	_ =	swait.ge [sflag:s23], $0x4000  }
0x36: {  	[sflag:s23] =	ssyncset.done $0x0  }
0x37: {  	s0 =	sadd.s32 $0x15400, s31;
	[sflag:s23] =	ssyncadd.s32 $0xFFFFC000  }
0x38: {  	[spmem:s2] =	stream.indirect.scatter.add.f32 [tilespmem:s21], [sflag:$0x5], $0x80, s0, s20, $0xb8;
	[tilespmem:$0x1E800] =	vst v63  }
0x39: {  	_ =	swait.ge [sflag:s24], $0x4000  }
0x3a: {  	[sflag:s24] =	ssyncset.done $0x0  }
0x3b: {  	s0 =	sadd.s32 $0x14100, s31;
	[sflag:s24] =	ssyncadd.s32 $0xFFFFC000  }
0x3c: {  	[tilespmem:s21], [sflag:$0x1] =	stream.indirect.gather [hbm4b:s4+s20], $0x80, s0, s20, $0xb8;
	[tilespmem:$0x1E800] =	vst v63  }
0x3d: {  	_ =	swait.ge [sflag:s25], $0x4000  }
.Ltmp0:
0x3e: {  	[sflag:s25] =	ssyncset.done $0x0;
	(pc) =	sbr.rel @p1 .LBB2_2-.Ltmp0, $4  }
0x3f: {  	s0 =	sadd.s32 $0x15480, s31;
	[sflag:s25] =	ssyncadd.s32 $0xFFFFC000  }
0x40: {  	[spmem:s2] =	stream.indirect.scatter.add.f32 [tilespmem:s22], [sflag:$0x4], $0x80, s0, s20, $0xb8;
	[tilespmem:$0x1E800] =	vst v63  }
0x41: {  	_ =	swait.ge [sflag:s17], $0x4000  }
0x42: {  	s31 =	sshra.s32 s26, $0x2;
	s0 =	smov.u32 s28;
	[sflag:s17] =	ssyncset.done $0x0  }
0x43: {  	s0 =	sadd.s32 $0x14080, s31;
	[sflag:s17] =	ssyncadd.s32 $0xFFFFC000  }
0x44: {  	[tilespmem:s22], [sflag:$0x2] =	stream.indirect.gather [hbm4b:s4+s20], $0x80, s0, s20, $0xb8;
	[tilespmem:$0x1E800] =	vst v63  }
0x45: {  	_ =	swait.ge [sflag:s23], $0x4000  }
0x46: {  	[sflag:s23] =	ssyncset.done $0x0  }
0x47: {  	s29 =	sadd.s32 $0x15400, s31;
	[sflag:s23] =	ssyncadd.s32 $0xFFFFC000  }
0x48: {  	[spmem:s2] =	stream.indirect.scatter.add.f32 [tilespmem:s21], [sflag:$0x5], $0x80, s29, s20, $0xb8;
	[tilespmem:$0x1E800] =	vst v63  }
0x49: {  	_ =	swait.ge [sflag:s24], $0x4000  }
0x4a: {  	[sflag:s24] =	ssyncset.done $0x0  }
0x4b: {  	s1 =	sadd.s32 $0x14100, s31;
	[sflag:s24] =	ssyncadd.s32 $0xFFFFC000  }
0x4c: {  	[tilespmem:s21], [sflag:$0x1] =	stream.indirect.gather [hbm4b:s4+s20], $0x80, s1, s20, $0xb8;
	[tilespmem:$0x1E800] =	vst v63  }
0x4d: {  	_ =	swait.ge [sflag:s25], $0x4000  }
0x4e: {  	[sflag:s25] =	ssyncset.done $0x0  }
0x4f: {  	s26 =	sadd.s32 $0x15480, s31;
	[sflag:s25] =	ssyncadd.s32 $0xFFFFC000  }
0x50: {  	[spmem:s2] =	stream.indirect.scatter.add.f32 [tilespmem:s22], [sflag:$0x4], $0x80, s26, s20, $0xb8;
	[tilespmem:$0x1E800] =	vst v63  }
0x51: {  	_ =	swait.ge [sflag:s17], $0x4000  }
0x52: {  	[sflag:s17] =	ssyncset.done $0x0  }
0x53: {  	s28 =	simm.s32 $0x15380;
	[sflag:s17] =	ssyncadd.s32 $0xFFFFC000  }
0x54: {  	[tilespmem:s22], [sflag:$0x2] =	stream.indirect.gather [hbm4b:s4+s20], $0x80, s28, s20, $0xb8;
	[tilespmem:$0x1E800] =	vst v63  }
0x55: {  	_ =	swait.ge [sflag:s23], $0x4000  }
0x56: {  	[sflag:s23] =	ssyncset.done $0x0  }
0x57: {  	s29 =	simm.s32 $0x16700;
	[sflag:s23] =	ssyncadd.s32 $0xFFFFC000  }
0x58: {  	[spmem:s2] =	stream.indirect.scatter.add.f32 [tilespmem:s21], [sflag:$0x5], $0x80, s29, s20, $0xb8;
	[tilespmem:$0x1E800] =	vst v63  }
0x59: {  	_ =	swait.ge [sflag:s24], $0x4000  }
0x5a: {  	[sflag:s24] =	ssyncset.done $0x0  }
0x5b: {  	s1 =	simm.s32 $0x2;
	[sflag:s24] =	ssyncadd.s32 $0xFFFFC000  }
0x5c: {  	_ =	swait.ge [sflag:s1], $0x4000  }
0x5d: {  	[sflag:s1] =	ssyncset.done $0x0  }
0x5e: {  	s26 =	simm.s32 $0x16780;
	[sflag:s1] =	ssyncadd.s32 $0xFFFFC000  }
0x5f: {  	[spmem:s2] =	stream.indirect.scatter.add.f32 [tilespmem:s22], [sflag:$0x4], $0x80, s26, s20, $0xb8;
	[tilespmem:$0x1E800] =	vst v63  }
0x60: {  	_ =	swait.ge [sflag:s17], $0x4000  }
0x61: {  	[sflag:s17] =	ssyncset.done $0x0  }
0x62: {  	[sflag:s17] =	ssyncadd.s32 $0xFFFFC000  }
0x63: {  	[tilespmem:s16], [sflag:$0x4] =	stream.linear.gather [hbm4b:s10+s3], $0x1400, $0x38;
	[tilespmem:$0x1E800] =	vst v63  }
0x64: {  	_ =	swait.ge [sflag:s17], $0x1400  }
0x65: {  	[sflag:s17] =	ssyncset.done $0x0  }
0x66: {  	[sflag:s17] =	ssyncadd.s32 $0xFFFFEC00  }
0x67: {  	[tilespmem:s18], [sflag:$0x4] =	stream.linear.gather [hbm4b:s11+s3], $0x1400, $0x38;
	[tilespmem:$0x1E800] =	vst v63  }
0x68: {  	_ =	swait.ge [sflag:s17], $0x1400  }
0x69: {  	[sflag:s17] =	ssyncset.done $0x0  }
0x6a: {  	[sflag:s17] =	ssyncadd.s32 $0xFFFFEC00  }
0x6b: {  	[tilespmem:s21], [sflag:$0x1] =	stream.indirect.gather [hbm4b:s4+s20], $0x80, s16, s20, $0xb8;
	[tilespmem:$0x1E800] =	vst v63  }
0x6c: {  	s31 =	simm.s32 $0x14080  }
0x6d: {  	[tilespmem:s22], [sflag:$0x2] =	stream.indirect.gather [hbm4b:s4+s20], $0x80, s31, s20, $0xb8;
	[tilespmem:$0x1E800] =	vst v63  }
0x6e: {  	_ =	swait.ge [sflag:s23], $0x4000  }
0x6f: {  	[sflag:s23] =	ssyncset.done $0x0  }
0x70: {  	s28 =	simm.s32 $0x15400;
	[sflag:s23] =	ssyncadd.s32 $0xFFFFC000  }
0x71: {  	[spmem:s2] =	stream.indirect.scatter.add.f32 [tilespmem:s21], [sflag:$0x5], $0x80, s28, s20, $0xb8;
	[tilespmem:$0x1E800] =	vst v63  }
0x72: {  	p1 =	sle.u32 s13, $0x2;
	_ =	swait.ge [sflag:s24], $0x4000  }
0x73: {  	s0 =	simm.s32 @!p1 $0x14100;
	[sflag:s24] =	ssyncset.done $0x0  }
0x74: {  	s1 =	simm.s32 @!p1 $0x80;
	s26 =	simm.s32 @!p1 $0x16800;
	[sflag:s24] =	ssyncadd.s32 $0xFFFFC000  }
0x75: {  	[tilespmem:s26], [sflag:$0x1] =	stream.indirect.gather @!p1 [hbm4b:s4+s1], $0x80, s0, s1, $0xb8;
	[tilespmem:$0x1E800] =	vst v63  }
0x76: {  	_ =	swait.ge [sflag:s25], $0x4000  }
0x77: {  	[sflag:s25] =	ssyncset.done $0x0  }
0x78: {  	s29 =	simm.s32 $0x15480;
	[sflag:s25] =	ssyncadd.s32 $0xFFFFC000  }
0x79: {  	[spmem:s2] =	stream.indirect.scatter.add.f32 [tilespmem:s22], [sflag:$0x4], $0x80, s29, s20, $0xb8;
	[tilespmem:$0x1E800] =	vst v63  }
0x7a: {  	s0 =	simm.s32 $0x4;
	s1 =	simm.s32 $0x15580;
	_ =	swait.ge [sflag:s17], $0x4000  }
.LBB2_4:
0x7b: {  	[sflag:s17] =	ssyncset.done $0x0  }
0x7c: {  	s31 =	sadd.s32 $0x100, s31;
	s26 =	smov.u32 s0;
	s0 =	sadd.s32 $0x2, s0  }
0x7d: {  	p1 =	sne.s32 s0, $0x28;
	[sflag:s17] =	ssyncadd.s32 $0xFFFFC000  }
0x7e: {  	[tilespmem:s22], [sflag:$0x2] =	stream.indirect.gather [hbm4b:s4+s20], $0x80, s31, s20, $0xb8;
	[tilespmem:$0x1E800] =	vst v63  }
0x7f: {  	_ =	swait.ge [sflag:s23], $0x4000  }
0x80: {  	s28 =	sadd.s32 $0xFFFFFF80, s1;
	[sflag:s23] =	ssyncset.done $0x0  }
0x81: {  	[sflag:s23] =	ssyncadd.s32 $0xFFFFC000  }
0x82: {  	[spmem:s2] =	stream.indirect.scatter.add.f32 [tilespmem:s21], [sflag:$0x5], $0x80, s28, s20, $0xb8;
	[tilespmem:$0x1E800] =	vst v63  }
0x83: {  	p2 =	sge.u32 s26, s13;
	_ =	swait.ge [sflag:s24], $0x4000  }
0x84: {  	s26 =	sadd.s32 @!p2 $0x80, s31;
	s28 =	simm.s32 @!p2 $0x80;
	[sflag:s24] =	ssyncset.done $0x0  }
0x85: {  	s29 =	simm.s32 @!p2 $0x16800;
	[sflag:s24] =	ssyncadd.s32 $0xFFFFC000  }
0x86: {  	[tilespmem:s29], [sflag:$0x1] =	stream.indirect.gather @!p2 [hbm4b:s4+s28], $0x80, s26, s28, $0xb8;
	[tilespmem:$0x1E800] =	vst v63  }
.Ltmp1:
0x87: {  	_ =	swait.ge [sflag:s25], $0x4000;
	(pc) =	sbr.rel @p1 .LBB2_4-.Ltmp1, $4  }
0x88: {  	[sflag:s25] =	ssyncset.done $0x0  }
0x89: {  	[sflag:s25] =	ssyncadd.s32 $0xFFFFC000  }
0x8a: {  	[spmem:s2] =	stream.indirect.scatter.add.f32 [tilespmem:s22], [sflag:$0x4], $0x80, s1, s20, $0xb8;
	[tilespmem:$0x1E800] =	vst v63  }
0x8b: {  	s1 =	sadd.s32 $0x100, s1;
	_ =	swait.ge [sflag:s17], $0x4000  }
0x8c: {  	[sflag:s17] =	ssyncset.done $0x0  }
0x8d: {  	s0 =	simm.s32 @!p0 $0x1;
	[sflag:s17] =	ssyncadd.s32 $0xFFFFC000  }
0x8e: {  	_ =	swait.ge @!p0 [sflag:s0], $0x4000  }
0x8f: {  	s1 =	simm.s32 @!p0 $0x16700;
	[sflag:s0] =	ssyncset.done @!p0 $0x0  }
0x90: {  	s26 =	simm.s32 @!p0 $0x16800;
	[sflag:s0] =	ssyncadd.s32 @!p0 $0xFFFFC000;
	s0 =	simm.s32 @!p0 $0x80  }
0x91: {  	[spmem:s2] =	stream.indirect.scatter.add.f32 @!p0 [tilespmem:s26], [sflag:$0x5], $0x80, s1, s0, $0xb8;
	[tilespmem:$0x1E800] =	vst v63  }
0x92: {  	s0 =	simm.s32 @!p0 $0x5  }
0x93: {  	_ =	swait.ge @!p0 [sflag:s0], $0x4000  }
0x94: {  	s30 =	sadd.s32 $0x1, s30;
	[sflag:s0] =	ssyncset.done @!p0 $0x0  }
0x95: {  	p1 =	sne.s32 s30, s14;
	[sflag:s0] =	ssyncadd.s32 @!p0 $0xFFFFC000  }
.Ltmp2:
0x96: {  	s31 =	sor.u32 $0x1C04, s5;
	[bflag:$0x0] =	sbarrier.arrive $0xFFFF;
	(pc) =	sbr.rel @p1 .LBB2_1-.Ltmp2, $4  }
0x97: {  	[hbm:s12], [sflag:s31] =	dma.local [spmem:s15], $0x2800  }
0x98: {  	_ =	swait.ge [sflag:s17], $0x2800  }
0x99: {  	[sflag:s17] =	ssyncset.done $0x0  }
0x9a: {  	[sflag:s17] =	ssyncadd.s32 $0xFFFFD800  }
0x9b: {  	_ =	sfence.sel $0x180000  }
0x9c: {  	[bflag:$0x0] =	sbarrier.arrive $0xFFFF  }
0x9d: {  	_ =	strace $0x9000004D  }
0x9e: {  	s0 =	stileid.u32;
	[bflag:$0x2] =	sbarrier.arrive $0xFFFF  }
0x9f: {  	p0 =	sne.s32 s0, $0x0;
	s0 =	rddreg [dreg:$0x2]  }
0xa0: {  	s0 =	sadd.s32 @!p0 $0x100000, s0  }
0xa1: {  	[sflag:s0] =	ssyncadd.tile.s32 @!p0 $0x1;
	_ =	shalt  }
.Lfunc_end2:
_tile_overlayer_lowered:
.L_overlay_start_2:
0xa2: {  	(tag) =	ssettag $0x2  }
0xa3: {  	s0 =	rddreg [dreg:$0x0];
	s2 =	stileid.u32  }
0xa4: {  	s1 =	rddreg [dreg:$0x1];
	p0 =	sne.s32 s2, $0x0  }
0xa5: {  	s3 =	rddreg [dreg:$0x2];
	[bflag:$0x3] =	sbarrier.arrive $0xFFFF;
	s2 =	simm.s32 @!p0 $0x1C04  }
0xa6: {  	[timem:s3], [sflag:s2] =	dma.local @!p0 [hbm:s0], s1  }
0xa7: {  	s0 =	simm.s32 @!p0 $0x4  }
0xa8: {  	_ =	swait.ge @!p0 [sflag:s0], s1  }
0xa9: {  	s1 =	ssub.s32 @!p0 $0x0, s1;
	[sflag:s0] =	ssyncset.done @!p0 $0x0  }
0xaa: {  	[sflag:s0] =	ssyncadd.s32 @!p0 s1  }
0xab: {  	[bflag:$0x3] =	sbarrier.arrive $0xFFFF  }
0xac: {  	_ =	shalt  }

// kernel: kernel.8.cloned.1.call-start
scs
__scs_entry_jumppad:
0x0: {  	(pc) =	sbr.rel $0x88, $3  }
0x1: {  	(tag) =	ssettag $0x0;
	lr =	simm.s32 $0x1  }
0x2: {  	[smem:$0x3F90] =	sst lr;
	_ =	strace $0xD0000000  }
0x3: {  	_ = 	snop  }
0x4: {  	_ = 	snop  }
0x5: {  	_ = 	snop  }
0x6: {  	_ = 	snop  }
0x7: {  	_ = 	snop  }
__scs_overlays_trampoline_lowered:
0x8: {  	[smem:$0x3F9F] =	sst s0  }
0x9: {  	[smem:$0x3FA0] =	sst s1  }
0xa: {  	[smem:$0x3FA1] =	sst s2  }
0xb: {  	[smem:$0x3FA2] =	sst s3  }
0xc: {  	[smem:$0x3FA3] =	sst s4  }
0xd: {  	[smem:$0x3FA4] =	sst s5  }
0xe: {  	[smem:$0x3FA5] =	sst s6  }
0xf: {  	[smem:$0x3FA6] =	sst s7  }
0x10: {  	[smem:$0x3FA7] =	sst s8  }
0x11: {  	[smem:$0x3FA8] =	sst s9;
	s0 =	simm.s32 @!p0 $0x0  }
0x12: {  	s1 =	sld [smem:$0x3F8E];
	s0 =	simm.s32 @p0 $0x1  }
0x13: {  	[smem:$0x3FA9] =	sst s0;
	s0 =	simm.s32 @!p1 $0x0  }
0x14: {  	s2 =	sld [smem:$0x3F8D];
	s0 =	simm.s32 @p1 $0x1  }
0x15: {  	[smem:$0x3FAA] =	sst s0;
	s0 =	simm.s32 @!p2 $0x0  }
0x16: {  	s3 =	sld [smem:$0x3FDB];
	s0 =	simm.s32 @p2 $0x1  }
0x17: {  	s4 =	simm.s32 $0x1BF5;
	[smem:$0x3FAC] =	sst s0  }
0x18: {  	s0 =	sld [smem:$0x3F8F];
	_ =	swait.ge [sflag:s4], $0x0  }
0x19: {  	s7 =	sld [smem:$0x3F90]  }
0x1a: {  	s8 =	sadd.s32 $0xFFFFE003, lr  }
0x1b: {  	s9 =	sadd.s32 $0xFFFFFEF7, lr;
	s5 =	simm.s32 $0xFFFFFFFF;
	p2 =	slt.u32 s8, $0xFFFFF086  }
0x1c: {  	p1 =	slt.u32 s9, $0xF7A;
	s5 =	simm.s32 @!p2 $0x0  }
0x1d: {  	s5 =	simm.s32 @p1 $0x1;
	p0 =	seq.s32 s7, s2  }
0x1e: {  	s7 =	smul.u32 @!p0 $0xF7A, s2;
	p2 =	seq.s32 @!p0 s5, $0x0  }
0x1f: {  	s9 =	smul.u32 $0xF7A, s1;
	s8 =	simm.s32 @!p0 $0x1BF5;
	p2 =	por !p2, p0  }
0x20: {  	[sflag:s8] =	ssyncset.s32 @!p0 $0xFFFFF086;
	s6 =	sadd.s32 @!p0 s3, s7;
	s7 =	simm.s32 @!p0 $0x108  }
0x21: {  	s3 =	sadd.s32 s3, s9;
	s6 =	sadd.s32 @!p0 $0x88, s6;
	s7 =	simm.s32 @p2 $0x1082  }
0x22: {  	[simem:s7], [sflag:s8] =	dma.local @!p0 [hbm:s6], $0xF7A  }
0x23: {  	s9 =	sor.u32 $0xD0000000, s2;
	s6 =	simm.s32 $0x108;
	_ =	swait.ge @!p0 [sflag:s8], $0x0  }
0x24: {  	s3 =	sadd.s32 $0x88, s3;
	s6 =	simm.s32 @!p1 $0x1082;
	[sflag:s4] =	ssyncset.s32 $0xFFFFF086  }
0x25: {  	[simem:s6], [sflag:s4] =	dma.local [hbm:s3], $0xF7A  }
0x26: {  	[smem:$0x3F90] =	sst s1;
	(tag) =	ssettag s2;
	_ =	strace s9  }
0x27: {  	s1 =	sld [smem:$0x3FA0]  }
0x28: {  	s2 =	sld [smem:$0x3FA1]  }
0x29: {  	s4 =	sld [smem:$0x3FA3]  }
0x2a: {  	p0 =	seq.s32 s5, $0x0;
	s5 =	sld [smem:$0x3FA4]  }
0x2b: {  	s6 =	sld [smem:$0x3FA5]  }
0x2c: {  	s7 =	sld [smem:$0x3FA6]  }
0x2d: {  	s3 =	simm.s32 $0x108;
	s8 =	sld [smem:$0x3FA7]  }
0x2e: {  	s3 =	simm.s32 @!p0 $0x1082;
	s9 =	sld [smem:$0x3FA8]  }
0x2f: {  	lr =	sadd.s32 s0, s3;
	s0 =	sld [smem:$0x3F9F]  }
0x30: {  	s3 =	sld [smem:$0x3FA2]  }
0x31: {  	[smem:$0x3FAB] =	sst s10  }
0x32: {  	s10 =	sld [smem:$0x3FA9];
	_ =	sdelay $0x3  }
0x33: {  	p0 =	seq.s32 s10, $0x1;
	s10 =	sld [smem:$0x3FAB];
	_ =	sdelay $0x3  }
0x34: {  	[smem:$0x3FAB] =	sst s10  }
0x35: {  	s10 =	sld [smem:$0x3FAA];
	_ =	sdelay $0x3  }
0x36: {  	p1 =	seq.s32 s10, $0x1;
	s10 =	sld [smem:$0x3FAB];
	_ =	sdelay $0x3  }
0x37: {  	[smem:$0x3FAB] =	sst s10  }
0x38: {  	s10 =	sld [smem:$0x3FAC]  }
0x39: {  	_ = 	snop;
	(pc) =	sbr.ind lr, $3  }
0x3a: {  	_ = 	snop  }
0x3b: {  	_ = 	snop  }
0x3c: {  	p2 =	seq.s32 s10, $0x1;
	s10 =	sld [smem:$0x3FAB]  }
0x3d: {  	_ =	shalt  }
0x3e: {  	_ =	shalt  }
0x3f: {  	_ =	shalt  }
0x40: {  	_ =	shalt  }
0x41: {  	_ =	shalt  }
0x42: {  	_ =	shalt  }
0x43: {  	_ =	shalt  }
0x44: {  	_ =	shalt  }
0x45: {  	_ =	shalt  }
0x46: {  	_ =	shalt  }
0x47: {  	_ =	shalt  }
0x48: {  	_ =	shalt  }
0x49: {  	_ =	shalt  }
0x4a: {  	_ =	shalt  }
0x4b: {  	_ =	shalt  }
0x4c: {  	_ =	shalt  }
0x4d: {  	_ =	shalt  }
0x4e: {  	_ =	shalt  }
0x4f: {  	_ =	shalt  }
0x50: {  	_ =	shalt  }
0x51: {  	_ =	shalt  }
0x52: {  	_ =	shalt  }
0x53: {  	_ =	shalt  }
0x54: {  	_ =	shalt  }
0x55: {  	_ =	shalt  }
0x56: {  	_ =	shalt  }
0x57: {  	_ =	shalt  }
0x58: {  	_ =	shalt  }
0x59: {  	_ =	shalt  }
0x5a: {  	_ =	shalt  }
0x5b: {  	_ =	shalt  }
0x5c: {  	_ =	shalt  }
0x5d: {  	_ =	shalt  }
0x5e: {  	_ =	shalt  }
0x5f: {  	_ =	shalt  }
0x60: {  	_ =	shalt  }
0x61: {  	_ =	shalt  }
0x62: {  	_ =	shalt  }
0x63: {  	_ =	shalt  }
0x64: {  	_ =	shalt  }
0x65: {  	_ =	shalt  }
0x66: {  	_ =	shalt  }
0x67: {  	_ =	shalt  }
0x68: {  	_ =	shalt  }
0x69: {  	_ =	shalt  }
0x6a: {  	_ =	shalt  }
0x6b: {  	_ =	shalt  }
0x6c: {  	_ =	shalt  }
0x6d: {  	_ =	shalt  }
0x6e: {  	_ =	shalt  }
0x6f: {  	_ =	shalt  }
0x70: {  	_ =	shalt  }
0x71: {  	_ =	shalt  }
0x72: {  	_ =	shalt  }
0x73: {  	_ =	shalt  }
0x74: {  	_ =	shalt  }
0x75: {  	_ =	shalt  }
0x76: {  	_ =	shalt  }
0x77: {  	_ =	shalt  }
0x78: {  	_ =	shalt  }
0x79: {  	_ =	shalt  }
0x7a: {  	_ =	shalt  }
0x7b: {  	_ =	shalt  }
0x7c: {  	_ =	shalt  }
0x7d: {  	_ =	shalt  }
0x7e: {  	_ =	shalt  }
0x7f: {  	_ =	shalt  }
0x80: {  	_ =	shalt  }
0x81: {  	_ =	shalt  }
0x82: {  	_ =	shalt  }
0x83: {  	_ =	shalt  }
0x84: {  	_ =	shalt  }
0x85: {  	_ =	shalt  }
0x86: {  	_ =	shalt  }
0x87: {  	_ =	shalt  }
.Lfunc_end0:
.L_simem_size_0:
called_computation_lowered:
.L_overlay_start_0:
0x88: {  	s2 =	sld [smem:$0x3FD9]  }
0x89: {  	s3 =	sld [smem:$0x3FFE];
	_ =	sdelay $0x1  }
0x8a: {  	s1 =	srdreg.scid  }
0x8b: {  	s0 =	sand.u32 $0x1, s1  }
0x8c: {  	s16 =	sshll.u32 s0, $0xA;
	s2 =	sadd.s32 s3, s2  }
0x8d: {  	s2 =	sadd.s32 s2, s16  }
0x8e: {  	[smem:$0x3FB7] =	sst s2  }
0x8f: {  	_ = 	snop  }
0x90: {  	(tm) =	ssettm $0x1  }
0x91: {  	s17 =	sld [smem:$0x3FFB];
	_ =	sdelay $0x3  }
0x92: {  	_ =	strace s17  }
0x93: {  	s2 =	sld [smem:$0x3FFC];
	_ =	sdelay $0x3  }
0x94: {  	_ =	strace s2  }
0x95: {  	s2 =	sld [smem:$0x3FFD];
	_ =	sdelay $0x3  }
0x96: {  	_ =	strace s2  }
0x97: {  	_ =	strace $0x8FFFFFFF  }
0x98: {  	s18 =	sld [smem:$0x3FDB];
	_ =	sdelay $0x1  }
0x99: {  	s19 =	simm.s32 $_scs_section_size  }
0x9a: {  	s4 =	simm.s32 $_size__tile_overlayer_lowered;
	s5 =	simm.s32 $_tile_overlayer_lowered  }
0x9b: {  	s22 =	simm.s32 $0x1BFF;
	s21 =	sshll.u32 s5, $0x1;
	s2 =	sadd.s32 s19, s18  }
0x9c: {  	s6 =	simm.s32 $0x0;
	s20 =	sshll.u32 s4, $0x1;
	s4 =	sadd.s32 s21, s2  }
0x9d: {  	[timem:s6], [sflag:s22] =	dma.local [hbm:s4], s20  }
0x9e: {  	_ =	swait.ge [sflag:s22], s20  }
0x9f: {  	s3 =	ssub.s32 $0x0, s20;
	[sflag:s22] =	ssyncset.done $0x0  }
0xa0: {  	[sflag:s22] =	ssyncadd.s32 s3;
	_ =	sdelay $0x1  }
0xa1: {  	s23 =	simm.s32 $0x1B8B  }
0xa2: {  	_ =	swait.ge [sflag:s23], $0x1  }
0xa3: {  	[sflag:s23] =	ssyncset.done $0x0  }
0xa4: {  	s25 =	simm.s32 $0x1B8E;
	s24 =	sld [smem:$0x3FFE];
	[sflag:s23] =	ssyncadd.s32 $0xFFFFFFFF  }
0xa5: {  	s26 =	simm.s32 $execute0_lowered;
	[smem:$0x3FD2] =	sst s25  }
0xa6: {  	s4 =	sshll.u32 s26, $0x1;
	_ =	strace $0x80000046;
	[dreg:$0x1] =	wrdreg $0xFFFFFFFF  }
0xa7: {  	s28 =	simm.s32 $_size_execute0_lowered;
	s2 =	sadd.s32 s2, s4;
	[dreg:$0x0] =	wrdreg $0x0  }
0xa8: {  	s4 =	sshll.u32 s28, $0x1;
	[dreg:$0x2] =	wrdreg s2  }
0xa9: {  	[dreg:$0x3] =	wrdreg s4  }
0xaa: {  	[dreg:$0x4] =	wrdreg $0xC0  }
0xab: {  	_ =	task [dreg:s6], $0x5FFFF  }
0xac: {  	[dreg:$0x1] =	wrdreg $0xFFFFFFFF  }
0xad: {  	[dreg:$0x0] =	wrdreg $0x60  }
0xae: {  	[dreg:$0x2] =	wrdreg s24  }
0xaf: {  	[dreg:$0x3] =	wrdreg $0x0  }
0xb0: {  	[dreg:$0x4] =	wrdreg $0x9  }
0xb1: {  	_ =	task.clear_ibuf [dreg:s6], $0x5FFFF;
	_ =	strace $0x90000046  }
0xb2: {  	s29 =	simm.s32 $0x9;
	_ =	strace $0x80000048  }
0xb3: {  	_ =	swait.ge [sflag:s29], $0x1  }
0xb4: {  	[sflag:s29] =	ssyncadd.s32 $0xFFFFFFFF  }
0xb5: {  	_ =	strace $0x90000048  }
0xb6: {  	_ =	sfence  }
0xb7: {  	s30 =	sld [smem:$0x0];
	_ =	sdelay $0x2  }
0xb8: {  	s31 =	sshll.u32 s1, $0xD;
	s1 =	sshrl.u32 s1, $0x2  }
0xb9: {  	s3 =	sand.u32 $0x4000, s31;
	s1 =	sadd.s32 s1, s30  }
0xba: {  	s0 =	sor.u32 s3, s0;
	s1 =	sshll.u32 s1, $0x11  }
0xbb: {  	s0 =	sor.u32 s1, s0  }
0xbc: {  	s0 =	sadd.s32 $0x8F2B, s0  }
0xbd: {  	[sflag:s0] =	ssyncadd.remote.s32 $0x1  }
0xbe: {  	_ =	sfence.sel $0xFFFF  }
0xbf: {  	[dreg:$0x0] =	wrdreg $0xFFFFFFFF;
	(pc) =	sbr.abs _section_cstart, $3  }
0xc0: {  	[dreg:$0x1] =	wrdreg $0xFFFFFFFF  }
0xc1: {  	_ =	task.clear_ibuf [dreg:s6], $0x2FFFF;
	_ =	strace $0x9FFFFFFF  }
0xc2: {  	(tm) =	ssettm $0x7FFFFFFF  }
0xc3: {  	_ =	shalt  }
tec
execute0_lowered:
.L_overlay_start_1:
0x0: {  	(tag) =	ssettag $0x1  }
0x1: {  	s0 =	rddreg [dreg:$0x0]  }
0x2: {  	s2 =	rddreg [dreg:$0x1]  }
0x3: {  	s1 =	srdreg.scid;
	s9 =	stileid.u32;
	s3 =	simm.s32 $0x0  }
0x4: {  	s13 =	simm.s32 $0x27;
	s16 =	simm.s32 $0x14000;
	s17 =	simm.s32 $0x4  }
0x5: {  	s18 =	simm.s32 $0x15400;
	s19 =	simm.s32 $0x3;
	s20 =	simm.s32 $0x80  }
0x6: {  	s21 =	simm.s32 $0x16800;
	s22 =	simm.s32 $0x1A800;
	s23 =	simm.s32 $0x1  }
0x7: {  	s30 =	simm.s32 $0x0;
	s1 =	sand.u32 $0x1, s1;
	s5 =	smul.u32 $0x14000, s9  }
0x8: {  	[smem:$0x7FF] =	sst s3;
	s4 =	sadd.s32 $0x18C00, s0;
	s8 =	smul.u32 $0x50000, s9  }
0x9: {  	s10 =	sadd.s32 $0xEC00, s0;
	s11 =	sadd.s32 $0x4C00, s0;
	s6 =	smul.u32 $0x140000, s1  }
0xa: {  	_ =	strace $0x80000047;
	s7 =	sshll.u32 s1, $0x4;
	s1 =	ssub.s32 $0x2, s1  }
0xb: {  	s25 =	sor.u32 s9, s7;
	s24 =	sshrl.u32 s1, $0x1;
	s26 =	sshrl.u32 s8, $0x2  }
0xc: {  	s29 =	sshrl.u32 s5, $0x3;
	s6 =	sadd.s32 s5, s6;
	s28 =	smul.u32 $0x2800, s25  }
0xd: {  	s1 =	ssub.s32 s1, s24;
	p0 =	slt.u32 s25, $0x4;
	s15 =	sadd.s32 s26, s2  }
0xe: {  	s5 =	sshll.u32 s9, $0x6;
	s24 =	simm.s32 $0x5;
	s6 =	sshrl.u32 s6, $0x3  }
0xf: {  	s7 =	sor.u32 $0x1C03, s5;
	s14 =	smax.u32 s1, $0x1;
	s13 =	simm.s32 @!p0 $0x26  }
0x10: {  	s15 =	sshrl.u32 s15, $0x3;
	p0 =	sgt.u32 s25, $0x3;
	s25 =	simm.s32 $0x2  }
0x11: {  	s0 =	sadd.s32 s6, s0;
	s31 =	sshrl.u32 s28, $0x3;
	s6 =	sadd.s32 s4, s29  }
0x12: {  	s12 =	sadd.s32 $0x280, s31;
	s8 =	sadd.s32 s10, s31;
	s9 =	sadd.s32 s11, s31  }
0x13: {  	s10 =	sadd.s32 s10, s12;
	s11 =	sadd.s32 s11, s12;
	s12 =	sadd.s32 $0x40C00, s0  }
.LBB2_1:
0x14: {  	[spmem:s15], [sflag:s7] =	dma.local [hbm:s6], $0x2800  }
0x15: {  	[tilespmem:s16], [sflag:$0x4] =	stream.linear.gather [hbm4b:s8+s3], $0x1400, $0x38;
	[tilespmem:$0x1E800] =	vst v63  }
0x16: {  	_ =	swait.ge [sflag:s17], $0x1400  }
0x17: {  	[sflag:s17] =	ssyncset.done $0x0  }
0x18: {  	[sflag:s17] =	ssyncadd.s32 $0xFFFFEC00  }
0x19: {  	[tilespmem:s18], [sflag:$0x4] =	stream.linear.gather [hbm4b:s9+s3], $0x1400, $0x38;
	[tilespmem:$0x1E800] =	vst v63  }
0x1a: {  	_ =	swait.ge [sflag:s17], $0x1400  }
0x1b: {  	[sflag:s17] =	ssyncset.done $0x0  }
0x1c: {  	[sflag:s17] =	ssyncadd.s32 $0xFFFFEC00  }
0x1d: {  	_ =	swait.ge [sflag:s19], $0x2800  }
0x1e: {  	[sflag:s19] =	ssyncset.done $0x0  }
0x1f: {  	[sflag:s19] =	ssyncadd.s32 $0xFFFFD800  }
0x20: {  	[bflag:$0x0] =	sbarrier.arrive $0xFFFF  }
0x21: {  	[tilespmem:s21], [sflag:$0x1] =	stream.indirect.gather [hbm4b:s4+s20], $0x80, s16, s20, $0xb8;
	[tilespmem:$0x1E800] =	vst v63  }
0x22: {  	s0 =	simm.s32 $0x14080  }
0x23: {  	[tilespmem:s22], [sflag:$0x2] =	stream.indirect.gather [hbm4b:s4+s20], $0x80, s0, s20, $0xb8;
	[tilespmem:$0x1E800] =	vst v63  }
0x24: {  	_ =	swait.ge [sflag:s23], $0x4000  }
0x25: {  	[sflag:s23] =	ssyncset.done $0x0  }
0x26: {  	s26 =	simm.s32 $0x15400;
	[sflag:s23] =	ssyncadd.s32 $0xFFFFC000  }
0x27: {  	[spmem:s2] =	stream.indirect.scatter.add.f32 [tilespmem:s21], [sflag:$0x5], $0x80, s26, s20, $0xb8;
	[tilespmem:$0x1E800] =	vst v63  }
0x28: {  	_ =	swait.ge [sflag:s24], $0x4000  }
0x29: {  	[sflag:s24] =	ssyncset.done $0x0  }
0x2a: {  	s28 =	simm.s32 $0x14100;
	[sflag:s24] =	ssyncadd.s32 $0xFFFFC000  }
0x2b: {  	[tilespmem:s21], [sflag:$0x1] =	stream.indirect.gather [hbm4b:s4+s20], $0x80, s28, s20, $0xb8;
	[tilespmem:$0x1E800] =	vst v63  }
0x2c: {  	_ =	swait.ge [sflag:s25], $0x4000  }
0x2d: {  	[sflag:s25] =	ssyncset.done $0x0  }
0x2e: {  	s29 =	simm.s32 $0x15480;
	[sflag:s25] =	ssyncadd.s32 $0xFFFFC000  }
0x2f: {  	[spmem:s2] =	stream.indirect.scatter.add.f32 [tilespmem:s22], [sflag:$0x4], $0x80, s29, s20, $0xb8;
	[tilespmem:$0x1E800] =	vst v63  }
0x30: {  	_ =	swait.ge [sflag:s17], $0x4000  }
0x31: {  	s31 =	simm.s32 $0x100;
	s0 =	simm.s32 $0x800;
	[sflag:s17] =	ssyncset.done $0x0  }
.LBB2_2:
0x32: {  	s1 =	sadd.s32 $0x14080, s31  }
0x33: {  	[sflag:s17] =	ssyncadd.s32 $0xFFFFC000;
	s26 =	smov.u32 s0;
	s28 =	sadd.s32 $0x400, s0  }
0x34: {  	[tilespmem:s22], [sflag:$0x2] =	stream.indirect.gather [hbm4b:s4+s20], $0x80, s1, s20, $0xb8;
	[tilespmem:$0x1E800] =	vst v63  }
0x35: {  	p1 =	sne.s32 s0, $0x4800;
	_ =	swait.ge [sflag:s23], $0x4000  }
0x36: {  	[sflag:s23] =	ssyncset.done $0x0  }
0x37: {  	s0 =	sadd.s32 $0x15400, s31;
	[sflag:s23] =	ssyncadd.s32 $0xFFFFC000  }
0x38: {  	[spmem:s2] =	stream.indirect.scatter.add.f32 [tilespmem:s21], [sflag:$0x5], $0x80, s0, s20, $0xb8;
	[tilespmem:$0x1E800] =	vst v63  }
0x39: {  	_ =	swait.ge [sflag:s24], $0x4000  }
0x3a: {  	[sflag:s24] =	ssyncset.done $0x0  }
0x3b: {  	s0 =	sadd.s32 $0x14100, s31;
	[sflag:s24] =	ssyncadd.s32 $0xFFFFC000  }
0x3c: {  	[tilespmem:s21], [sflag:$0x1] =	stream.indirect.gather [hbm4b:s4+s20], $0x80, s0, s20, $0xb8;
	[tilespmem:$0x1E800] =	vst v63  }
0x3d: {  	_ =	swait.ge [sflag:s25], $0x4000  }
.Ltmp0:
0x3e: {  	[sflag:s25] =	ssyncset.done $0x0;
	(pc) =	sbr.rel @p1 .LBB2_2-.Ltmp0, $4  }
0x3f: {  	s0 =	sadd.s32 $0x15480, s31;
	[sflag:s25] =	ssyncadd.s32 $0xFFFFC000  }
0x40: {  	[spmem:s2] =	stream.indirect.scatter.add.f32 [tilespmem:s22], [sflag:$0x4], $0x80, s0, s20, $0xb8;
	[tilespmem:$0x1E800] =	vst v63  }
0x41: {  	_ =	swait.ge [sflag:s17], $0x4000  }
0x42: {  	s31 =	sshra.s32 s26, $0x2;
	s0 =	smov.u32 s28;
	[sflag:s17] =	ssyncset.done $0x0  }
0x43: {  	s0 =	sadd.s32 $0x14080, s31;
	[sflag:s17] =	ssyncadd.s32 $0xFFFFC000  }
0x44: {  	[tilespmem:s22], [sflag:$0x2] =	stream.indirect.gather [hbm4b:s4+s20], $0x80, s0, s20, $0xb8;
	[tilespmem:$0x1E800] =	vst v63  }
0x45: {  	_ =	swait.ge [sflag:s23], $0x4000  }
0x46: {  	[sflag:s23] =	ssyncset.done $0x0  }
0x47: {  	s29 =	sadd.s32 $0x15400, s31;
	[sflag:s23] =	ssyncadd.s32 $0xFFFFC000  }
0x48: {  	[spmem:s2] =	stream.indirect.scatter.add.f32 [tilespmem:s21], [sflag:$0x5], $0x80, s29, s20, $0xb8;
	[tilespmem:$0x1E800] =	vst v63  }
0x49: {  	_ =	swait.ge [sflag:s24], $0x4000  }
0x4a: {  	[sflag:s24] =	ssyncset.done $0x0  }
0x4b: {  	s1 =	sadd.s32 $0x14100, s31;
	[sflag:s24] =	ssyncadd.s32 $0xFFFFC000  }
0x4c: {  	[tilespmem:s21], [sflag:$0x1] =	stream.indirect.gather [hbm4b:s4+s20], $0x80, s1, s20, $0xb8;
	[tilespmem:$0x1E800] =	vst v63  }
0x4d: {  	_ =	swait.ge [sflag:s25], $0x4000  }
0x4e: {  	[sflag:s25] =	ssyncset.done $0x0  }
0x4f: {  	s26 =	sadd.s32 $0x15480, s31;
	[sflag:s25] =	ssyncadd.s32 $0xFFFFC000  }
0x50: {  	[spmem:s2] =	stream.indirect.scatter.add.f32 [tilespmem:s22], [sflag:$0x4], $0x80, s26, s20, $0xb8;
	[tilespmem:$0x1E800] =	vst v63  }
0x51: {  	_ =	swait.ge [sflag:s17], $0x4000  }
0x52: {  	[sflag:s17] =	ssyncset.done $0x0  }
0x53: {  	s28 =	simm.s32 $0x15380;
	[sflag:s17] =	ssyncadd.s32 $0xFFFFC000  }
0x54: {  	[tilespmem:s22], [sflag:$0x2] =	stream.indirect.gather [hbm4b:s4+s20], $0x80, s28, s20, $0xb8;
	[tilespmem:$0x1E800] =	vst v63  }
0x55: {  	_ =	swait.ge [sflag:s23], $0x4000  }
0x56: {  	[sflag:s23] =	ssyncset.done $0x0  }
0x57: {  	s29 =	simm.s32 $0x16700;
	[sflag:s23] =	ssyncadd.s32 $0xFFFFC000  }
0x58: {  	[spmem:s2] =	stream.indirect.scatter.add.f32 [tilespmem:s21], [sflag:$0x5], $0x80, s29, s20, $0xb8;
	[tilespmem:$0x1E800] =	vst v63  }
0x59: {  	_ =	swait.ge [sflag:s24], $0x4000  }
0x5a: {  	[sflag:s24] =	ssyncset.done $0x0  }
0x5b: {  	s1 =	simm.s32 $0x2;
	[sflag:s24] =	ssyncadd.s32 $0xFFFFC000  }
0x5c: {  	_ =	swait.ge [sflag:s1], $0x4000  }
0x5d: {  	[sflag:s1] =	ssyncset.done $0x0  }
0x5e: {  	s26 =	simm.s32 $0x16780;
	[sflag:s1] =	ssyncadd.s32 $0xFFFFC000  }
0x5f: {  	[spmem:s2] =	stream.indirect.scatter.add.f32 [tilespmem:s22], [sflag:$0x4], $0x80, s26, s20, $0xb8;
	[tilespmem:$0x1E800] =	vst v63  }
0x60: {  	_ =	swait.ge [sflag:s17], $0x4000  }
0x61: {  	[sflag:s17] =	ssyncset.done $0x0  }
0x62: {  	[sflag:s17] =	ssyncadd.s32 $0xFFFFC000  }
0x63: {  	[tilespmem:s16], [sflag:$0x4] =	stream.linear.gather [hbm4b:s10+s3], $0x1400, $0x38;
	[tilespmem:$0x1E800] =	vst v63  }
0x64: {  	_ =	swait.ge [sflag:s17], $0x1400  }
0x65: {  	[sflag:s17] =	ssyncset.done $0x0  }
0x66: {  	[sflag:s17] =	ssyncadd.s32 $0xFFFFEC00  }
0x67: {  	[tilespmem:s18], [sflag:$0x4] =	stream.linear.gather [hbm4b:s11+s3], $0x1400, $0x38;
	[tilespmem:$0x1E800] =	vst v63  }
0x68: {  	_ =	swait.ge [sflag:s17], $0x1400  }
0x69: {  	[sflag:s17] =	ssyncset.done $0x0  }
0x6a: {  	[sflag:s17] =	ssyncadd.s32 $0xFFFFEC00  }
0x6b: {  	[tilespmem:s21], [sflag:$0x1] =	stream.indirect.gather [hbm4b:s4+s20], $0x80, s16, s20, $0xb8;
	[tilespmem:$0x1E800] =	vst v63  }
0x6c: {  	s31 =	simm.s32 $0x14080  }
0x6d: {  	[tilespmem:s22], [sflag:$0x2] =	stream.indirect.gather [hbm4b:s4+s20], $0x80, s31, s20, $0xb8;
	[tilespmem:$0x1E800] =	vst v63  }
0x6e: {  	_ =	swait.ge [sflag:s23], $0x4000  }
0x6f: {  	[sflag:s23] =	ssyncset.done $0x0  }
0x70: {  	s28 =	simm.s32 $0x15400;
	[sflag:s23] =	ssyncadd.s32 $0xFFFFC000  }
0x71: {  	[spmem:s2] =	stream.indirect.scatter.add.f32 [tilespmem:s21], [sflag:$0x5], $0x80, s28, s20, $0xb8;
	[tilespmem:$0x1E800] =	vst v63  }
0x72: {  	p1 =	sle.u32 s13, $0x2;
	_ =	swait.ge [sflag:s24], $0x4000  }
0x73: {  	s0 =	simm.s32 @!p1 $0x14100;
	[sflag:s24] =	ssyncset.done $0x0  }
0x74: {  	s1 =	simm.s32 @!p1 $0x80;
	s26 =	simm.s32 @!p1 $0x16800;
	[sflag:s24] =	ssyncadd.s32 $0xFFFFC000  }
0x75: {  	[tilespmem:s26], [sflag:$0x1] =	stream.indirect.gather @!p1 [hbm4b:s4+s1], $0x80, s0, s1, $0xb8;
	[tilespmem:$0x1E800] =	vst v63  }
0x76: {  	_ =	swait.ge [sflag:s25], $0x4000  }
0x77: {  	[sflag:s25] =	ssyncset.done $0x0  }
0x78: {  	s29 =	simm.s32 $0x15480;
	[sflag:s25] =	ssyncadd.s32 $0xFFFFC000  }
0x79: {  	[spmem:s2] =	stream.indirect.scatter.add.f32 [tilespmem:s22], [sflag:$0x4], $0x80, s29, s20, $0xb8;
	[tilespmem:$0x1E800] =	vst v63  }
0x7a: {  	s0 =	simm.s32 $0x4;
	s1 =	simm.s32 $0x15580;
	_ =	swait.ge [sflag:s17], $0x4000  }
.LBB2_4:
0x7b: {  	[sflag:s17] =	ssyncset.done $0x0  }
0x7c: {  	s31 =	sadd.s32 $0x100, s31;
	s26 =	smov.u32 s0;
	s0 =	sadd.s32 $0x2, s0  }
0x7d: {  	p1 =	sne.s32 s0, $0x28;
	[sflag:s17] =	ssyncadd.s32 $0xFFFFC000  }
0x7e: {  	[tilespmem:s22], [sflag:$0x2] =	stream.indirect.gather [hbm4b:s4+s20], $0x80, s31, s20, $0xb8;
	[tilespmem:$0x1E800] =	vst v63  }
0x7f: {  	_ =	swait.ge [sflag:s23], $0x4000  }
0x80: {  	s28 =	sadd.s32 $0xFFFFFF80, s1;
	[sflag:s23] =	ssyncset.done $0x0  }
0x81: {  	[sflag:s23] =	ssyncadd.s32 $0xFFFFC000  }
0x82: {  	[spmem:s2] =	stream.indirect.scatter.add.f32 [tilespmem:s21], [sflag:$0x5], $0x80, s28, s20, $0xb8;
	[tilespmem:$0x1E800] =	vst v63  }
0x83: {  	p2 =	sge.u32 s26, s13;
	_ =	swait.ge [sflag:s24], $0x4000  }
0x84: {  	s26 =	sadd.s32 @!p2 $0x80, s31;
	s28 =	simm.s32 @!p2 $0x80;
	[sflag:s24] =	ssyncset.done $0x0  }
0x85: {  	s29 =	simm.s32 @!p2 $0x16800;
	[sflag:s24] =	ssyncadd.s32 $0xFFFFC000  }
0x86: {  	[tilespmem:s29], [sflag:$0x1] =	stream.indirect.gather @!p2 [hbm4b:s4+s28], $0x80, s26, s28, $0xb8;
	[tilespmem:$0x1E800] =	vst v63  }
.Ltmp1:
0x87: {  	_ =	swait.ge [sflag:s25], $0x4000;
	(pc) =	sbr.rel @p1 .LBB2_4-.Ltmp1, $4  }
0x88: {  	[sflag:s25] =	ssyncset.done $0x0  }
0x89: {  	[sflag:s25] =	ssyncadd.s32 $0xFFFFC000  }
0x8a: {  	[spmem:s2] =	stream.indirect.scatter.add.f32 [tilespmem:s22], [sflag:$0x4], $0x80, s1, s20, $0xb8;
	[tilespmem:$0x1E800] =	vst v63  }
0x8b: {  	s1 =	sadd.s32 $0x100, s1;
	_ =	swait.ge [sflag:s17], $0x4000  }
0x8c: {  	[sflag:s17] =	ssyncset.done $0x0  }
0x8d: {  	s0 =	simm.s32 @!p0 $0x1;
	[sflag:s17] =	ssyncadd.s32 $0xFFFFC000  }
0x8e: {  	_ =	swait.ge @!p0 [sflag:s0], $0x4000  }
0x8f: {  	s1 =	simm.s32 @!p0 $0x16700;
	[sflag:s0] =	ssyncset.done @!p0 $0x0  }
0x90: {  	s26 =	simm.s32 @!p0 $0x16800;
	[sflag:s0] =	ssyncadd.s32 @!p0 $0xFFFFC000;
	s0 =	simm.s32 @!p0 $0x80  }
0x91: {  	[spmem:s2] =	stream.indirect.scatter.add.f32 @!p0 [tilespmem:s26], [sflag:$0x5], $0x80, s1, s0, $0xb8;
	[tilespmem:$0x1E800] =	vst v63  }
0x92: {  	s0 =	simm.s32 @!p0 $0x5  }
0x93: {  	_ =	swait.ge @!p0 [sflag:s0], $0x4000  }
0x94: {  	s30 =	sadd.s32 $0x1, s30;
	[sflag:s0] =	ssyncset.done @!p0 $0x0  }
0x95: {  	p1 =	sne.s32 s30, s14;
	[sflag:s0] =	ssyncadd.s32 @!p0 $0xFFFFC000  }
.Ltmp2:
0x96: {  	s31 =	sor.u32 $0x1C04, s5;
	[bflag:$0x0] =	sbarrier.arrive $0xFFFF;
	(pc) =	sbr.rel @p1 .LBB2_1-.Ltmp2, $4  }
0x97: {  	[hbm:s12], [sflag:s31] =	dma.local [spmem:s15], $0x2800  }
0x98: {  	_ =	swait.ge [sflag:s17], $0x2800  }
0x99: {  	[sflag:s17] =	ssyncset.done $0x0  }
0x9a: {  	[sflag:s17] =	ssyncadd.s32 $0xFFFFD800  }
0x9b: {  	_ =	sfence.sel $0x180000  }
0x9c: {  	[bflag:$0x0] =	sbarrier.arrive $0xFFFF  }
0x9d: {  	_ =	strace $0x90000047  }
0x9e: {  	s0 =	stileid.u32;
	[bflag:$0x2] =	sbarrier.arrive $0xFFFF  }
0x9f: {  	p0 =	sne.s32 s0, $0x0;
	s0 =	rddreg [dreg:$0x2]  }
0xa0: {  	s0 =	sadd.s32 @!p0 $0x100000, s0  }
0xa1: {  	[sflag:s0] =	ssyncadd.tile.s32 @!p0 $0x1;
	_ =	shalt  }
.Lfunc_end2:
_tile_overlayer_lowered:
.L_overlay_start_2:
0xa2: {  	(tag) =	ssettag $0x2  }
0xa3: {  	s0 =	rddreg [dreg:$0x0];
	s2 =	stileid.u32  }
0xa4: {  	s1 =	rddreg [dreg:$0x1];
	p0 =	sne.s32 s2, $0x0  }
0xa5: {  	s3 =	rddreg [dreg:$0x2];
	[bflag:$0x3] =	sbarrier.arrive $0xFFFF;
	s2 =	simm.s32 @!p0 $0x1C04  }
0xa6: {  	[timem:s3], [sflag:s2] =	dma.local @!p0 [hbm:s0], s1  }
0xa7: {  	s0 =	simm.s32 @!p0 $0x4  }
0xa8: {  	_ =	swait.ge @!p0 [sflag:s0], s1  }
0xa9: {  	s1 =	ssub.s32 @!p0 $0x0, s1;
	[sflag:s0] =	ssyncset.done @!p0 $0x0  }
0xaa: {  	[sflag:s0] =	ssyncadd.s32 @!p0 s1  }
0xab: {  	[bflag:$0x3] =	sbarrier.arrive $0xFFFF  }
0xac: {  	_ =	shalt  }

</sc_bundles>
